<compile_context>
chip_gen: v7x
topology: tpu7x:2x2x1
jax: 0.10.2.dev20260603
libtpu: 0.0.44.dev20260713+nightly
codegen_flags: <defaults>
</compile_context>

<pallas_src>
import functools

import jax
import jax.numpy as jnp
import numpy as np
from jax import lax
from jax.experimental import pallas as pl
from jax.experimental.pallas import tpu as pltpu
from jax.experimental.pallas import tpu_sc as plsc

F = 26
V = 100000
D = 16
NUM = 13
B = 4096
H1, H2, H3 = 1024, 512, 256
FD = F * D

NC = 2
NS = 16
NW = NC * NS
CH = B // NW


@functools.lru_cache(maxsize=None)
def _make_sc_fm():
    mesh = plsc.VectorSubcoreMesh(core_axis_name="c", subcore_axis_name="s")

    @functools.partial(
        pl.kernel,
        out_type=jax.ShapeDtypeStruct((B,), jnp.float32),
        mesh=mesh,
        scratch_types=[
            pltpu.VMEM((F, CH), jnp.int32),
            pltpu.VMEM((F * CH,), jnp.float32),
            pltpu.VMEM((CH,), jnp.float32),
            pltpu.SemaphoreType.DMA,
        ],
        compiler_params=pltpu.CompilerParams(use_tc_tiling_on_sc=False),
    )
    def _sc_fm(fmw, idxw, fm1_out, idx_v, fm_v, fm1_v, sem_f):
        wid = lax.axis_index("s") * NC + lax.axis_index("c")
        pltpu.sync_copy(idxw.at[wid], idx_v)

        def fire(f, c):
            pltpu.async_copy(fmw.at[idx_v.at[f]], fm_v.at[pl.ds(f * CH, CH)],
                             sem_f)
            return c

        lax.fori_loop(0, F, fire, 0)

        def drain(f, c):
            pltpu.make_async_copy(fmw.at[idx_v.at[f]],
                                  fm_v.at[pl.ds(f * CH, CH)], sem_f).wait()
            return c

        lax.fori_loop(0, F, drain, 0)

        def red(k, c):
            def rf(f, a):
                return a + fm_v[pl.ds(f * CH + k * 16, 16)]

            acc = lax.fori_loop(0, F, rf, jnp.zeros((16,), jnp.float32))
            fm1_v[pl.ds(k * 16, 16)] = acc
            return c

        lax.fori_loop(0, CH // 16, red, 0)
        pltpu.sync_copy(fm1_v, fm1_out.at[pl.ds(wid * CH, CH)])

    return _sc_fm


BT = 256
_INV = np.float32(1.0 / np.sqrt(1.0 + 1e-5))
_DN_T = (((0,), (0,)), ((), ()))


def _tc_fused(et_ref, xnt_ref, fm1_ref,
              w1a_ref, w1b_ref, b1_ref, g1_ref, be1_ref,
              w2_ref, b2_ref, g2_ref, be2_ref,
              w3_ref, b3_ref, g3_ref, be3_ref,
              w4r_ref, b4_ref, smat_ref, out_ref):
    et = et_ref[...]
    h = lax.dot_general(et, w1a_ref[...], _DN_T,
                        preferred_element_type=jnp.float32)
    h = h + lax.dot_general(xnt_ref[...], w1b_ref[...], _DN_T,
                            preferred_element_type=jnp.float32)
    s1 = g1_ref[...] * _INV
    h = jnp.maximum(h * s1 + (b1_ref[...] * s1 + be1_ref[...]), 0.0)
    h = jnp.dot(h, w2_ref[...], preferred_element_type=jnp.float32)
    s2 = g2_ref[...] * _INV
    h = jnp.maximum(h * s2 + (b2_ref[...] * s2 + be2_ref[...]), 0.0)
    h = jnp.dot(h, w3_ref[...], preferred_element_type=jnp.float32)
    s3 = g3_ref[...] * _INV
    h = jnp.maximum(h * s3 + (b3_ref[...] * s3 + be3_ref[...]), 0.0)
    dnn = jnp.sum(h * w4r_ref[...], axis=1) + b4_ref[0, 0]
    st = lax.dot_general(smat_ref[...], et, _DN_T,
                         preferred_element_type=jnp.float32)
    fm2 = 0.5 * (jnp.sum(st * st, axis=0) - jnp.sum(et * et, axis=0))
    out_ref[...] = jax.nn.sigmoid(fm1_ref[...] + fm2 + dnn)


def _const_spec(shape):
    return pl.BlockSpec(shape, lambda i: tuple(0 for _ in shape))


def kernel(x_cat, x_num, emb, fm_w, offsets,
           W1, b1, g1, beta1, W2, b2, g2, beta2, W3, b3, g3, beta3, W4, b4):
    flat = x_cat + offsets[None, :]
    idxw = flat.T.reshape(F, NW, CH).transpose(1, 0, 2)
    fm1 = _make_sc_fm()(fm_w.reshape(F * V), idxw)

    field_col = jnp.arange(F, dtype=jnp.int32)[:, None]
    et_full = emb[field_col, x_cat.T].reshape(F * B, D).T.reshape(FD, B)

    xnt = x_num.T
    w1a = W1[:FD].reshape(F, D, H1).transpose(1, 0, 2).reshape(FD, H1)
    w1b = W1[FD:]
    smat = jnp.repeat(jnp.eye(D, dtype=jnp.float32), F, axis=0)

    out = pl.pallas_call(
        _tc_fused,
        grid=(B // BT,),
        in_specs=[
            pl.BlockSpec((FD, BT), lambda i: (0, i)),
            pl.BlockSpec((NUM, BT), lambda i: (0, i)),
            pl.BlockSpec((BT,), lambda i: (i,)),
            _const_spec((FD, H1)),
            _const_spec((NUM, H1)),
            _const_spec((1, H1)),
            _const_spec((1, H1)),
            _const_spec((1, H1)),
            _const_spec((H1, H2)),
            _const_spec((1, H2)),
            _const_spec((1, H2)),
            _const_spec((1, H2)),
            _const_spec((H2, H3)),
            _const_spec((1, H3)),
            _const_spec((1, H3)),
            _const_spec((1, H3)),
            _const_spec((1, H3)),
            _const_spec((1, 1)),
            _const_spec((FD, D)),
        ],
        out_specs=pl.BlockSpec((BT,), lambda i: (i,)),
        out_shape=jax.ShapeDtypeStruct((B,), jnp.float32),
    )(et_full, xnt, fm1,
      w1a, w1b, b1.reshape(1, H1), g1.reshape(1, H1), beta1.reshape(1, H1),
      W2, b2.reshape(1, H2), g2.reshape(1, H2), beta2.reshape(1, H2),
      W3, b3.reshape(1, H3), g3.reshape(1, H3), beta3.reshape(1, H3),
      W4.reshape(1, H3), b4.reshape(1, 1), smat)
    return out

# --- scband reference (transcript-rebuilt; emitter-appended) ---
"""Pipeline reference for scband-deep-fm-17076789969231 (READ-ONLY COPY).

The authoritative reference and input builder live on the scoring server;
editing this copy changes nothing except your own understanding.
"""

import jax, jax.numpy as jnp
import numpy as np

F = 26
V = 100000
D = 16
NUM = 13
B = 4096
HID = [1024, 512, 256]


def setup_inputs(seed: int = 0) -> dict:
    key = jax.random.key(seed)
    keys = jax.random.split(key, 16)
    x_cat = jax.random.randint(keys[0], (B, F), 0, V, dtype=jnp.int32)
    x_num = jax.random.normal(keys[1], (B, NUM), dtype=jnp.float32)
    emb = 0.01 * jax.random.normal(keys[2], (F, V, D), dtype=jnp.float32)
    fm_w = 0.01 * jax.random.normal(keys[3], (F * V, 1), dtype=jnp.float32)
    offsets = jnp.arange(F, dtype=jnp.int32) * V
    din = F * D + NUM
    dims = [din] + HID
    params = {}
    for i in range(3):
        a, b = dims[i], dims[i + 1]
        params["W%d" % (i + 1)] = (jax.random.normal(keys[4 + i], (a, b), dtype=jnp.float32) / np.sqrt(a)).astype(jnp.float32)
        params["b%d" % (i + 1)] = jnp.zeros((b,), dtype=jnp.float32)
        params["g%d" % (i + 1)] = jnp.ones((b,), dtype=jnp.float32)
        params["beta%d" % (i + 1)] = jnp.zeros((b,), dtype=jnp.float32)
    params["W4"] = (jax.random.normal(keys[8], (dims[-1], 1), dtype=jnp.float32) / np.sqrt(dims[-1])).astype(jnp.float32)
    params["b4"] = jnp.zeros((1,), dtype=jnp.float32)
    return {"x_cat": x_cat, "x_num": x_num, "emb": emb, "fm_w": fm_w, "offsets": offsets, **params}


def reference(x_cat, x_num, emb, fm_w, offsets, W1, b1, g1, beta1, W2, b2, g2, beta2, W3, b3, g3, beta3, W4, b4):
    Bsz = x_cat.shape[0]
    field_idx = jnp.arange(F, dtype=jnp.int32)[None, :]
    embedded = emb[field_idx, x_cat]  # [B, F, D] gather per field
    fm_first = jnp.take(fm_w, x_cat + offsets[None, :], axis=0).sum(axis=1)  # [B, 1]
    sum_of_square = jnp.sum(embedded, axis=1) ** 2
    square_of_sum = jnp.sum(embedded ** 2, axis=1)
    fm_second = 0.5 * jnp.sum(sum_of_square - square_of_sum, axis=1, keepdims=True)
    h = jnp.concatenate([embedded.reshape(Bsz, -1), x_num], axis=1)
    inv = 1.0 / jnp.sqrt(1.0 + 1e-5)  # eval-mode BN, running_mean=0, running_var=1
    for (W, bb, g, be) in ((W1, b1, g1, beta1), (W2, b2, g2, beta2), (W3, b3, g3, beta3)):
        h = h @ W + bb
        h = g * (h * inv) + be
        h = jax.nn.relu(h)
        # dropout: identity in eval mode
    dnn_out = h @ W4 + b4
    out = fm_first + fm_second + dnn_out
    return jax.nn.sigmoid(out.squeeze(1))

if __name__ == "__main__":
    import jax
    _d = setup_inputs()
    print(jax.jit(kernel)(*tuple(_d.values())))

</pallas_src>

<mosaic_0001>
#map = affine_map<(d0, d1) -> (0)>
#map1 = affine_map<(d0, d1) -> (0, 0, 0)>
module attributes {stable_mosaic.version = 14 : i64} {
  func.func @_sc_fm(%arg0: i32, %arg1: i32, %arg2: memref<2600000xf32, #tpu.memory_space<hbm>>, %arg3: memref<32x26x128xi32, #tpu.memory_space<hbm>>, %arg4: memref<4096xf32, #tpu.memory_space<hbm>>, %arg5: memref<26x128xi32, #tpu.memory_space<vmem>>, %arg6: memref<3328xf32, #tpu.memory_space<vmem>>, %arg7: memref<128xf32, #tpu.memory_space<vmem>>, %arg8: memref<!tpu.dma_semaphore, #tpu.memory_space<semaphore_mem>>) attributes {dimension_semantics = [#tpu.dimension_semantics<core_parallel>, #tpu.dimension_semantics<subcore_parallel>], iteration_bounds = array<i64: 2, 16>, scalar_prefetch = 0 : i64, scratch_operands = 4 : i64, tpu.core_type = #tpu.core_type<sc_vector_subcore>, window_params = [{transform_indices = #map}, {transform_indices = #map1}, {transform_indices = #map}]} {
    %mul3A = arith.constant 2 : i32
    %mul3A_0 = arith.muli %arg1, %mul3A : i32
    %add3A = arith.addi %mul3A_0, %arg0 : i32
    "tpu.region"() ({
      %run_scoped3A = tpu.sem_alloc : memref<!tpu.dma_semaphore, #tpu.memory_space<semaphore_mem>>
      %dma_start3A = arith.constant 0 : i32
      %dma_start3A_20 = arith.constant 0 : i32
      %dma_start3A_21 = tpu.memref_slice %arg3[%add3A, %dma_start3A, %dma_start3A_20] : memref<32x26x128xi32, #tpu.memory_space<hbm>> -> memref<1x26x128xi32, #tpu.memory_space<hbm>>
      %dma_start3A_22 = tpu.memref_squeeze %dma_start3A_21 : memref<1x26x128xi32, #tpu.memory_space<hbm>> -> memref<26x128xi32, #tpu.memory_space<hbm>>
      %dma_start3A_23 = arith.constant 0 : i32
      %dma_start3A_24 = arith.constant 0 : i32
      %dma_start3A_25 = tpu.memref_slice %arg3[%add3A, %dma_start3A_23, %dma_start3A_24] : memref<32x26x128xi32, #tpu.memory_space<hbm>> -> memref<1x26x128xi32, #tpu.memory_space<hbm>>
      %dma_start3A_26 = tpu.memref_squeeze %dma_start3A_25 : memref<1x26x128xi32, #tpu.memory_space<hbm>> -> memref<26x128xi32, #tpu.memory_space<hbm>>
      tpu.enqueue_dma source(%dma_start3A_26 : memref<26x128xi32, #tpu.memory_space<hbm>>) target(%arg5 : memref<26x128xi32, #tpu.memory_space<vmem>>) target_semaphore(%run_scoped3A : memref<!tpu.dma_semaphore, #tpu.memory_space<semaphore_mem>>)
      %dma_wait3A = arith.constant 0 : i32
      %dma_wait3A_27 = arith.constant 0 : i32
      %dma_wait3A_28 = tpu.memref_slice %arg3[%add3A, %dma_wait3A, %dma_wait3A_27] : memref<32x26x128xi32, #tpu.memory_space<hbm>> -> memref<1x26x128xi32, #tpu.memory_space<hbm>>
      %dma_wait3A_29 = tpu.memref_squeeze %dma_wait3A_28 : memref<1x26x128xi32, #tpu.memory_space<hbm>> -> memref<26x128xi32, #tpu.memory_space<hbm>>
      %dma_wait3A_30 = arith.constant 0 : i32
      %dma_wait3A_31 = arith.constant 0 : i32
      %dma_wait3A_32 = tpu.memref_slice %arg3[%add3A, %dma_wait3A_30, %dma_wait3A_31] : memref<32x26x128xi32, #tpu.memory_space<hbm>> -> memref<1x26x128xi32, #tpu.memory_space<hbm>>
      %dma_wait3A_33 = tpu.memref_squeeze %dma_wait3A_32 : memref<1x26x128xi32, #tpu.memory_space<hbm>> -> memref<26x128xi32, #tpu.memory_space<hbm>>
      tpu.wait_dma2 semaphore(%run_scoped3A : memref<!tpu.dma_semaphore, #tpu.memory_space<semaphore_mem>>) src(%dma_wait3A_33 : memref<26x128xi32, #tpu.memory_space<hbm>>) dst(%arg5 : memref<26x128xi32, #tpu.memory_space<vmem>>)
      tpu.yield
    }) : () -> ()
    %scan3A = arith.constant 0 : i32
    %scan3A_1 = arith.constant 0 : i32
    %scan3A_2 = arith.constant 26 : i32
    %scan3A_3 = arith.addi %scan3A_1, %scan3A_2 : i32
    %scan3A_4 = arith.constant 1 : i32
    scf.for %scan3A_20 = %scan3A_1 to %scan3A_3 step %scan3A_4  : i32 {
      %mul3A_21 = arith.constant 128 : i32
      %mul3A_22 = arith.muli %scan3A_20, %mul3A_21 : i32
      %dma_start3A = tpu.memref_slice %arg6[%mul3A_22] : memref<3328xf32, #tpu.memory_space<vmem>> -> memref<128xf32, #tpu.memory_space<vmem>>
      %dma_start3A_23 = arith.constant 0 : i32
      %dma_start3A_24 = tpu.memref_slice %arg5[%scan3A_20, %dma_start3A_23] : memref<26x128xi32, #tpu.memory_space<vmem>> -> memref<1x128xi32, #tpu.memory_space<vmem>>
      %dma_start3A_25 = tpu.memref_squeeze %dma_start3A_24 : memref<1x128xi32, #tpu.memory_space<vmem>> -> memref<128xi32, #tpu.memory_space<vmem>>
      %dma_start3A_26 = arith.constant 0 : i32
      %dma_start3A_27 = tpu.memref_slice %arg2[%dma_start3A_26] : memref<2600000xf32, #tpu.memory_space<hbm>> -> memref<2600000xf32, #tpu.memory_space<hbm>>
      tpu.enqueue_indirect_dma source(%dma_start3A_27 : memref<2600000xf32, #tpu.memory_space<hbm>>) target(%dma_start3A : memref<128xf32, #tpu.memory_space<vmem>>) offsets(%dma_start3A_25 : memref<128xi32, #tpu.memory_space<vmem>>) semaphore(%arg8 : memref<!tpu.dma_semaphore, #tpu.memory_space<semaphore_mem>>)
    }
    %scan3A_5 = arith.constant 26 : i32
    %scan3A_6 = arith.constant 0 : i32
    %scan3A_7 = arith.constant 0 : i32
    %scan3A_8 = arith.constant 26 : i32
    %scan3A_9 = arith.addi %scan3A_7, %scan3A_8 : i32
    %scan3A_10 = arith.constant 1 : i32
    scf.for %scan3A_20 = %scan3A_7 to %scan3A_9 step %scan3A_10  : i32 {
      %mul3A_21 = arith.constant 128 : i32
      %mul3A_22 = arith.muli %scan3A_20, %mul3A_21 : i32
      %dma_wait3A = tpu.memref_slice %arg6[%mul3A_22] : memref<3328xf32, #tpu.memory_space<vmem>> -> memref<128xf32, #tpu.memory_space<vmem>>
      %dma_wait3A_23 = arith.constant 0 : i32
      %dma_wait3A_24 = tpu.memref_slice %arg5[%scan3A_20, %dma_wait3A_23] : memref<26x128xi32, #tpu.memory_space<vmem>> -> memref<1x128xi32, #tpu.memory_space<vmem>>
      %dma_wait3A_25 = tpu.memref_squeeze %dma_wait3A_24 : memref<1x128xi32, #tpu.memory_space<vmem>> -> memref<128xi32, #tpu.memory_space<vmem>>
      %dma_wait3A_26 = arith.constant 0 : i32
      %dma_wait3A_27 = tpu.memref_slice %arg2[%dma_wait3A_26] : memref<2600000xf32, #tpu.memory_space<hbm>> -> memref<2600000xf32, #tpu.memory_space<hbm>>
      tpu.wait_indirect_dma semaphore(%arg8 : memref<!tpu.dma_semaphore, #tpu.memory_space<semaphore_mem>>) src(%dma_wait3A_27 : memref<2600000xf32, #tpu.memory_space<hbm>>) dst(%dma_wait3A : memref<128xf32, #tpu.memory_space<vmem>>)
    }
    %scan3A_11 = arith.constant 26 : i32
    %scan3A_12 = arith.constant 0 : i32
    %scan3A_13 = arith.constant 0 : i32
    %scan3A_14 = arith.constant 8 : i32
    %scan3A_15 = arith.addi %scan3A_13, %scan3A_14 : i32
    %scan3A_16 = arith.constant 1 : i32
    scf.for %scan3A_20 = %scan3A_13 to %scan3A_15 step %scan3A_16  : i32 {
      %broadcast_in_dim3A = arith.constant 0.000000e+00 : f32
      %broadcast_in_dim3A_21 = vector.broadcast %broadcast_in_dim3A : f32 to vector<16xf32>
      %scan3A_22 = arith.constant 0 : i32
      %scan3A_23 = arith.constant 26 : i32
      %scan3A_24 = arith.addi %scan3A_22, %scan3A_23 : i32
      %scan3A_25 = arith.constant 1 : i32
      %scan3A_26 = scf.for %scan3A_33 = %scan3A_22 to %scan3A_24 step %scan3A_25 iter_args(%scan3A_34 = %broadcast_in_dim3A_21) -> (vector<16xf32>)  : i32 {
        %mul3A_35 = arith.constant 128 : i32
        %mul3A_36 = arith.muli %scan3A_33, %mul3A_35 : i32
        %mul3A_37 = arith.constant 16 : i32
        %mul3A_38 = arith.muli %scan3A_20, %mul3A_37 : i32
        %add3A_39 = arith.addi %mul3A_36, %mul3A_38 : i32
        %get3A = arith.index_cast %add3A_39 : i32 to index
        %get3A_40 = tpu.vector_load %arg6[%get3A] {strides = array<i32>} : memref<3328xf32, #tpu.memory_space<vmem>>, vector<16xf32>,
        %get3A_41 = vector.shape_cast %get3A_40 : vector<16xf32> to vector<16xf32>
        %add3A_42 = arith.addf %scan3A_34, %get3A_41 : vector<16xf32>
        scf.yield %add3A_42 : vector<16xf32>
      }
      %scan3A_27 = arith.constant 26 : i32
      %mul3A_28 = arith.constant 16 : i32
      %mul3A_29 = arith.muli %scan3A_20, %mul3A_28 : i32
      %swap3A = arith.index_cast %mul3A_29 : i32 to index
      %swap3A_30 = tpu.vector_load %arg7[%swap3A] {strides = array<i32>} : memref<128xf32, #tpu.memory_space<vmem>>, vector<16xf32>,
      %swap3A_31 = vector.shape_cast %swap3A_30 : vector<16xf32> to vector<16xf32>
      %swap3A_32 = vector.shape_cast %scan3A_26 : vector<16xf32> to vector<16xf32>
      tpu.vector_store %arg7[%swap3A], %swap3A_32 {strides = array<i32>} : memref<128xf32, #tpu.memory_space<vmem>>, vector<16xf32>,
    }
    %scan3A_17 = arith.constant 8 : i32
    %mul3A_18 = arith.constant 128 : i32
    %mul3A_19 = arith.muli %add3A, %mul3A_18 : i32
    "tpu.region"() ({
      %run_scoped3A = tpu.sem_alloc : memref<!tpu.dma_semaphore, #tpu.memory_space<semaphore_mem>>
      %dma_start3A = tpu.memref_slice %arg4[%mul3A_19] : memref<4096xf32, #tpu.memory_space<hbm>> -> memref<128xf32, #tpu.memory_space<hbm>>
      %dma_start3A_20 = tpu.memref_slice %arg4[%mul3A_19] : memref<4096xf32, #tpu.memory_space<hbm>> -> memref<128xf32, #tpu.memory_space<hbm>>
      tpu.enqueue_dma source(%arg7 : memref<128xf32, #tpu.memory_space<vmem>>) target(%dma_start3A_20 : memref<128xf32, #tpu.memory_space<hbm>>) target_semaphore(%run_scoped3A : memref<!tpu.dma_semaphore, #tpu.memory_space<semaphore_mem>>)
      %dma_wait3A = tpu.memref_slice %arg4[%mul3A_19] : memref<4096xf32, #tpu.memory_space<hbm>> -> memref<128xf32, #tpu.memory_space<hbm>>
      %dma_wait3A_21 = tpu.memref_slice %arg4[%mul3A_19] : memref<4096xf32, #tpu.memory_space<hbm>> -> memref<128xf32, #tpu.memory_space<hbm>>
      tpu.wait_dma2 semaphore(%run_scoped3A : memref<!tpu.dma_semaphore, #tpu.memory_space<semaphore_mem>>) src(%arg7 : memref<128xf32, #tpu.memory_space<vmem>>) dst(%dma_wait3A_21 : memref<128xf32, #tpu.memory_space<hbm>>)
      tpu.yield
    }) : () -> ()
    return
  }
}

module attributes {stable_mosaic.version = 14 : i64} {
  func.func @_tc_fused(%arg0: i32, %arg1: memref<416x256xf32, #tpu.memory_space<vmem>>, %arg2: memref<13x256xf32, #tpu.memory_space<vmem>>, %arg3: memref<256xf32, #tpu.memory_space<vmem>>, %arg4: memref<416x1024xf32, #tpu.memory_space<vmem>>, %arg5: memref<13x1024xf32, #tpu.memory_space<vmem>>, %arg6: memref<1x1024xf32, #tpu.memory_space<vmem>>, %arg7: memref<1x1024xf32, #tpu.memory_space<vmem>>, %arg8: memref<1x1024xf32, #tpu.memory_space<vmem>>, %arg9: memref<1024x512xf32, #tpu.memory_space<vmem>>, %arg10: memref<1x512xf32, #tpu.memory_space<vmem>>, %arg11: memref<1x512xf32, #tpu.memory_space<vmem>>, %arg12: memref<1x512xf32, #tpu.memory_space<vmem>>, %arg13: memref<512x256xf32, #tpu.memory_space<vmem>>, %arg14: memref<1x256xf32, #tpu.memory_space<vmem>>, %arg15: memref<1x256xf32, #tpu.memory_space<vmem>>, %arg16: memref<1x256xf32, #tpu.memory_space<vmem>>, %arg17: memref<1x256xf32, #tpu.memory_space<vmem>>, %arg18: memref<1x1xf32, #tpu.memory_space<vmem>>, %arg19: memref<416x16xf32, #tpu.memory_space<vmem>>, %arg20: memref<256xf32, #tpu.memory_space<vmem>>) attributes {dimension_semantics = [#tpu.dimension_semantics<arbitrary>], iteration_bounds = array<i64: 16>, scalar_prefetch = 0 : i64, scratch_operands = 0 : i64, tpu.core_type = #tpu.core_type<tc>, window_params = [{transform_indices = @transform_0, window_bounds = array<i64: 416, 256>}, {transform_indices = @transform_1, window_bounds = array<i64: 13, 256>}, {transform_indices = @transform_2, window_bounds = array<i64: 256>}, {pipeline_mode = #tpu.pipeline_mode<synchronous>, transform_indices = @transform_3, window_bounds = array<i64: 416, 1024>}, {pipeline_mode = #tpu.pipeline_mode<synchronous>, transform_indices = @transform_4, window_bounds = array<i64: 13, 1024>}, {pipeline_mode = #tpu.pipeline_mode<synchronous>, transform_indices = @transform_5, window_bounds = array<i64: 1, 1024>}, {pipeline_mode = #tpu.pipeline_mode<synchronous>, transform_indices = @transform_6, window_bounds = array<i64: 1, 1024>}, {pipeline_mode = #tpu.pipeline_mode<synchronous>, transform_indices = @transform_7, window_bounds = array<i64: 1, 1024>}, {pipeline_mode = #tpu.pipeline_mode<synchronous>, transform_indices = @transform_8, window_bounds = array<i64: 1024, 512>}, {pipeline_mode = #tpu.pipeline_mode<synchronous>, transform_indices = @transform_9, window_bounds = array<i64: 1, 512>}, {pipeline_mode = #tpu.pipeline_mode<synchronous>, transform_indices = @transform_10, window_bounds = array<i64: 1, 512>}, {pipeline_mode = #tpu.pipeline_mode<synchronous>, transform_indices = @transform_11, window_bounds = array<i64: 1, 512>}, {pipeline_mode = #tpu.pipeline_mode<synchronous>, transform_indices = @transform_12, window_bounds = array<i64: 512, 256>}, {pipeline_mode = #tpu.pipeline_mode<synchronous>, transform_indices = @transform_13, window_bounds = array<i64: 1, 256>}, {pipeline_mode = #tpu.pipeline_mode<synchronous>, transform_indices = @transform_14, window_bounds = array<i64: 1, 256>}, {pipeline_mode = #tpu.pipeline_mode<synchronous>, transform_indices = @transform_15, window_bounds = array<i64: 1, 256>}, {pipeline_mode = #tpu.pipeline_mode<synchronous>, transform_indices = @transform_16, window_bounds = array<i64: 1, 256>}, {pipeline_mode = #tpu.pipeline_mode<synchronous>, transform_indices = @transform_17, window_bounds = array<i64: 1, 1>}, {pipeline_mode = #tpu.pipeline_mode<synchronous>, transform_indices = @transform_18, window_bounds = array<i64: 416, 16>}, {transform_indices = @transform_19, window_bounds = array<i64: 256>}]} {
    %get3A = arith.constant 0 : index
    %get3A_0 = arith.constant 0 : index
    %get3A_1 = vector.load %arg1[%get3A, %get3A_0] : memref<416x256xf32, #tpu.memory_space<vmem>>, vector<416x256xf32>
    %get3A_2 = arith.constant 0 : index
    %get3A_3 = arith.constant 0 : index
    %get3A_4 = vector.load %arg4[%get3A_2, %get3A_3] : memref<416x1024xf32, #tpu.memory_space<vmem>>, vector<416x1024xf32>
    %dot_general3A = arith.constant dense<0.000000e+00> : vector<256x1024xf32>
    %dot_general3A_5 = tpu.matmul %get3A_1, %get3A_4, %dot_general3A {dimension_numbers = #tpu.dot_dimension_numbers<[0], [0], [1], [1], [0, 1, 1, 1], [], []>, transpose_lhs_hint = false} : vector<416x256xf32>, vector<416x1024xf32>, vector<256x1024xf32> -> vector<256x1024xf32>
    %get3A_6 = arith.constant 0 : index
    %get3A_7 = arith.constant 0 : index
    %get3A_8 = vector.load %arg2[%get3A_6, %get3A_7] : memref<13x256xf32, #tpu.memory_space<vmem>>, vector<13x256xf32>
    %get3A_9 = arith.constant 0 : index
    %get3A_10 = arith.constant 0 : index
    %get3A_11 = vector.load %arg5[%get3A_9, %get3A_10] : memref<13x1024xf32, #tpu.memory_space<vmem>>, vector<13x1024xf32>
    %dot_general3A_12 = arith.constant dense<0.000000e+00> : vector<256x1024xf32>
    %dot_general3A_13 = tpu.matmul %get3A_8, %get3A_11, %dot_general3A_12 {dimension_numbers = #tpu.dot_dimension_numbers<[0], [0], [1], [1], [0, 1, 1, 1], [], []>, transpose_lhs_hint = false} : vector<13x256xf32>, vector<13x1024xf32>, vector<256x1024xf32> -> vector<256x1024xf32>
    %add3A = arith.addf %dot_general3A_5, %dot_general3A_13 : vector<256x1024xf32>
    %get3A_14 = arith.constant 0 : index
    %get3A_15 = arith.constant 0 : index
    %get3A_16 = vector.load %arg7[%get3A_14, %get3A_15] : memref<1x1024xf32, #tpu.memory_space<vmem>>, vector<1x1024xf32>
    %mul3A = arith.constant 0.999994993 : f32
    %mul3A_17 = vector.broadcast %mul3A : f32 to vector<1x1024xf32>
    %mul3A_18 = arith.mulf %get3A_16, %mul3A_17 : vector<1x1024xf32>
    %mul3A_19 = vector.broadcast %mul3A_18 : vector<1x1024xf32> to vector<256x1024xf32>
    %mul3A_20 = arith.mulf %add3A, %mul3A_19 : vector<256x1024xf32>
    %get3A_21 = arith.constant 0 : index
    %get3A_22 = arith.constant 0 : index
    %get3A_23 = vector.load %arg6[%get3A_21, %get3A_22] : memref<1x1024xf32, #tpu.memory_space<vmem>>, vector<1x1024xf32>
    %mul3A_24 = arith.mulf %get3A_23, %mul3A_18 : vector<1x1024xf32>
    %get3A_25 = arith.constant 0 : index
    %get3A_26 = arith.constant 0 : index
    %get3A_27 = vector.load %arg8[%get3A_25, %get3A_26] : memref<1x1024xf32, #tpu.memory_space<vmem>>, vector<1x1024xf32>
    %add3A_28 = arith.addf %mul3A_24, %get3A_27 : vector<1x1024xf32>
    %add3A_29 = vector.broadcast %add3A_28 : vector<1x1024xf32> to vector<256x1024xf32>
    %add3A_30 = arith.addf %mul3A_20, %add3A_29 : vector<256x1024xf32>
    %max3A = arith.constant 0.000000e+00 : f32
    %max3A_31 = vector.broadcast %max3A : f32 to vector<256x1024xf32>
    %max3A_32 = arith.maximumf %add3A_30, %max3A_31 : vector<256x1024xf32>
    %get3A_33 = arith.constant 0 : index
    %get3A_34 = arith.constant 0 : index
    %get3A_35 = vector.load %arg9[%get3A_33, %get3A_34] : memref<1024x512xf32, #tpu.memory_space<vmem>>, vector<1024x512xf32>
    %dot_general3A_36 = arith.constant dense<0.000000e+00> : vector<256x512xf32>
    %dot_general3A_37 = tpu.matmul %max3A_32, %get3A_35, %dot_general3A_36 {dimension_numbers = #tpu.dot_dimension_numbers<[1], [0], [0], [1], [0, 0, 1, 1], [], []>, transpose_lhs_hint = false} : vector<256x1024xf32>, vector<1024x512xf32>, vector<256x512xf32> -> vector<256x512xf32>
    %get3A_38 = arith.constant 0 : index
    %get3A_39 = arith.constant 0 : index
    %get3A_40 = vector.load %arg11[%get3A_38, %get3A_39] : memref<1x512xf32, #tpu.memory_space<vmem>>, vector<1x512xf32>
    %mul3A_41 = arith.constant 0.999994993 : f32
    %mul3A_42 = vector.broadcast %mul3A_41 : f32 to vector<1x512xf32>
    %mul3A_43 = arith.mulf %get3A_40, %mul3A_42 : vector<1x512xf32>
    %mul3A_44 = vector.broadcast %mul3A_43 : vector<1x512xf32> to vector<256x512xf32>
    %mul3A_45 = arith.mulf %dot_general3A_37, %mul3A_44 : vector<256x512xf32>
    %get3A_46 = arith.constant 0 : index
    %get3A_47 = arith.constant 0 : index
    %get3A_48 = vector.load %arg10[%get3A_46, %get3A_47] : memref<1x512xf32, #tpu.memory_space<vmem>>, vector<1x512xf32>
    %mul3A_49 = arith.mulf %get3A_48, %mul3A_43 : vector<1x512xf32>
    %get3A_50 = arith.constant 0 : index
    %get3A_51 = arith.constant 0 : index
    %get3A_52 = vector.load %arg12[%get3A_50, %get3A_51] : memref<1x512xf32, #tpu.memory_space<vmem>>, vector<1x512xf32>
    %add3A_53 = arith.addf %mul3A_49, %get3A_52 : vector<1x512xf32>
    %add3A_54 = vector.broadcast %add3A_53 : vector<1x512xf32> to vector<256x512xf32>
    %add3A_55 = arith.addf %mul3A_45, %add3A_54 : vector<256x512xf32>
    %max3A_56 = arith.constant 0.000000e+00 : f32
    %max3A_57 = vector.broadcast %max3A_56 : f32 to vector<256x512xf32>
    %max3A_58 = arith.maximumf %add3A_55, %max3A_57 : vector<256x512xf32>
    %get3A_59 = arith.constant 0 : index
    %get3A_60 = arith.constant 0 : index
    %get3A_61 = vector.load %arg13[%get3A_59, %get3A_60] : memref<512x256xf32, #tpu.memory_space<vmem>>, vector<512x256xf32>
    %dot_general3A_62 = arith.constant dense<0.000000e+00> : vector<256x256xf32>
    %dot_general3A_63 = tpu.matmul %max3A_58, %get3A_61, %dot_general3A_62 {dimension_numbers = #tpu.dot_dimension_numbers<[1], [0], [0], [1], [0, 0, 1, 1], [], []>, transpose_lhs_hint = false} : vector<256x512xf32>, vector<512x256xf32>, vector<256x256xf32> -> vector<256x256xf32>
    %get3A_64 = arith.constant 0 : index
    %get3A_65 = arith.constant 0 : index
    %get3A_66 = vector.load %arg15[%get3A_64, %get3A_65] : memref<1x256xf32, #tpu.memory_space<vmem>>, vector<1x256xf32>
    %mul3A_67 = arith.constant 0.999994993 : f32
    %mul3A_68 = vector.broadcast %mul3A_67 : f32 to vector<1x256xf32>
    %mul3A_69 = arith.mulf %get3A_66, %mul3A_68 : vector<1x256xf32>
    %mul3A_70 = vector.broadcast %mul3A_69 : vector<1x256xf32> to vector<256x256xf32>
    %mul3A_71 = arith.mulf %dot_general3A_63, %mul3A_70 : vector<256x256xf32>
    %get3A_72 = arith.constant 0 : index
    %get3A_73 = arith.constant 0 : index
    %get3A_74 = vector.load %arg14[%get3A_72, %get3A_73] : memref<1x256xf32, #tpu.memory_space<vmem>>, vector<1x256xf32>
    %mul3A_75 = arith.mulf %get3A_74, %mul3A_69 : vector<1x256xf32>
    %get3A_76 = arith.constant 0 : index
    %get3A_77 = arith.constant 0 : index
    %get3A_78 = vector.load %arg16[%get3A_76, %get3A_77] : memref<1x256xf32, #tpu.memory_space<vmem>>, vector<1x256xf32>
    %add3A_79 = arith.addf %mul3A_75, %get3A_78 : vector<1x256xf32>
    %add3A_80 = vector.broadcast %add3A_79 : vector<1x256xf32> to vector<256x256xf32>
    %add3A_81 = arith.addf %mul3A_71, %add3A_80 : vector<256x256xf32>
    %max3A_82 = arith.constant 0.000000e+00 : f32
    %max3A_83 = vector.broadcast %max3A_82 : f32 to vector<256x256xf32>
    %max3A_84 = arith.maximumf %add3A_81, %max3A_83 : vector<256x256xf32>
    %get3A_85 = arith.constant 0 : index
    %get3A_86 = arith.constant 0 : index
    %get3A_87 = vector.load %arg17[%get3A_85, %get3A_86] : memref<1x256xf32, #tpu.memory_space<vmem>>, vector<1x256xf32>
    %mul3A_88 = vector.broadcast %get3A_87 : vector<1x256xf32> to vector<256x256xf32>
    %mul3A_89 = arith.mulf %max3A_84, %mul3A_88 : vector<256x256xf32>
    %reduce_sum3A = arith.constant dense<0.000000e+00> : vector<256xf32>
    %reduce_sum3A_90 = vector.multi_reduction <add>, %mul3A_89, %reduce_sum3A [1] : vector<256x256xf32> to vector<256xf32>
    %get3A_91 = arith.constant 0 : index
    %get3A_92 = arith.constant 0 : index
    %get3A_93 = vector.load %arg18[%get3A_91, %get3A_92] : memref<1x1xf32, #tpu.memory_space<vmem>>, vector<1x1xf32>
    %get3A_94 = vector.extract %get3A_93[0, 0] : f32 from vector<1x1xf32>
    %add3A_95 = vector.broadcast %get3A_94 : f32 to vector<256xf32>
    %add3A_96 = arith.addf %reduce_sum3A_90, %add3A_95 : vector<256xf32>
    %get3A_97 = arith.constant 0 : index
    %get3A_98 = arith.constant 0 : index
    %get3A_99 = vector.load %arg19[%get3A_97, %get3A_98] : memref<416x16xf32, #tpu.memory_space<vmem>>, vector<416x16xf32>
    %dot_general3A_100 = arith.constant dense<0.000000e+00> : vector<16x256xf32>
    %dot_general3A_101 = tpu.matmul %get3A_99, %get3A_1, %dot_general3A_100 {dimension_numbers = #tpu.dot_dimension_numbers<[0], [0], [1], [1], [0, 1, 1, 1], [], []>, transpose_lhs_hint = false} : vector<416x16xf32>, vector<416x256xf32>, vector<16x256xf32> -> vector<16x256xf32>
    %mul3A_102 = arith.mulf %dot_general3A_101, %dot_general3A_101 : vector<16x256xf32>
    %reduce_sum3A_103 = arith.constant dense<0.000000e+00> : vector<256xf32>
    %reduce_sum3A_104 = vector.multi_reduction <add>, %mul3A_102, %reduce_sum3A_103 [0] : vector<16x256xf32> to vector<256xf32>
    %mul3A_105 = arith.mulf %get3A_1, %get3A_1 : vector<416x256xf32>
    %reduce_sum3A_106 = arith.constant dense<0.000000e+00> : vector<256xf32>
    %reduce_sum3A_107 = vector.multi_reduction <add>, %mul3A_105, %reduce_sum3A_106 [0] : vector<416x256xf32> to vector<256xf32>
    %sub3A = arith.subf %reduce_sum3A_104, %reduce_sum3A_107 : vector<256xf32>
    %mul3A_108 = arith.constant 5.000000e-01 : f32
    %mul3A_109 = vector.broadcast %mul3A_108 : f32 to vector<256xf32>
    %mul3A_110 = arith.mulf %mul3A_109, %sub3A : vector<256xf32>
    %get3A_111 = arith.constant 0 : index
    %get3A_112 = vector.load %arg3[%get3A_111] : memref<256xf32, #tpu.memory_space<vmem>>, vector<256xf32>
    %add3A_113 = arith.addf %get3A_112, %mul3A_110 : vector<256xf32>
    %add3A_114 = arith.addf %add3A_113, %add3A_96 : vector<256xf32>
    %logistic3A = arith.negf %add3A_114 : vector<256xf32>
    %logistic3A_115 = math.exp %logistic3A : vector<256xf32>
    %logistic3A_116 = arith.constant 1.000000e+00 : f32
    %logistic3A_117 = vector.broadcast %logistic3A_116 : f32 to vector<256xf32>
    %logistic3A_118 = arith.addf %logistic3A_117, %logistic3A_115 : vector<256xf32>
    %logistic3A_119 = arith.divf %logistic3A_117, %logistic3A_118 : vector<256xf32>
    %swap3A = arith.constant 0 : index
    %swap3A_120 = vector.load %arg20[%swap3A] : memref<256xf32, #tpu.memory_space<vmem>>, vector<256xf32>
    tpu.vector_store %arg20[%swap3A], %logistic3A_119 {strides = array<i32>} : memref<256xf32, #tpu.memory_space<vmem>>, vector<256xf32>,
    return
  }
  func.func @transform_0(%arg0: i32) -> (i32, i32) {
    %c0_i32 = arith.constant 0 : i32
    %c0_i32_0 = arith.constant 0 : i32
    return %c0_i32, %arg0 : i32, i32
  }
  func.func @transform_1(%arg0: i32) -> (i32, i32) {
    %c0_i32 = arith.constant 0 : i32
    %c0_i32_0 = arith.constant 0 : i32
    return %c0_i32, %arg0 : i32, i32
  }
  func.func @transform_2(%arg0: i32) -> i32 {
    %c0_i32 = arith.constant 0 : i32
    return %arg0 : i32
  }
  func.func @transform_3(%arg0: i32) -> (i32, i32) {
    %c0_i32 = arith.constant 0 : i32
    %c0_i32_0 = arith.constant 0 : i32
    %c0_i32_1 = arith.constant 0 : i32
    return %c0_i32, %c0_i32_0 : i32, i32
  }
  func.func @transform_4(%arg0: i32) -> (i32, i32) {
    %c0_i32 = arith.constant 0 : i32
    %c0_i32_0 = arith.constant 0 : i32
    %c0_i32_1 = arith.constant 0 : i32
    return %c0_i32, %c0_i32_0 : i32, i32
  }
  func.func @transform_5(%arg0: i32) -> (i32, i32) {
    %c0_i32 = arith.constant 0 : i32
    %c0_i32_0 = arith.constant 0 : i32
    %c0_i32_1 = arith.constant 0 : i32
    return %c0_i32, %c0_i32_0 : i32, i32
  }
  func.func @transform_6(%arg0: i32) -> (i32, i32) {
    %c0_i32 = arith.constant 0 : i32
    %c0_i32_0 = arith.constant 0 : i32
    %c0_i32_1 = arith.constant 0 : i32
    return %c0_i32, %c0_i32_0 : i32, i32
  }
  func.func @transform_7(%arg0: i32) -> (i32, i32) {
    %c0_i32 = arith.constant 0 : i32
    %c0_i32_0 = arith.constant 0 : i32
    %c0_i32_1 = arith.constant 0 : i32
    return %c0_i32, %c0_i32_0 : i32, i32
  }
  func.func @transform_8(%arg0: i32) -> (i32, i32) {
    %c0_i32 = arith.constant 0 : i32
    %c0_i32_0 = arith.constant 0 : i32
    %c0_i32_1 = arith.constant 0 : i32
    return %c0_i32, %c0_i32_0 : i32, i32
  }
  func.func @transform_9(%arg0: i32) -> (i32, i32) {
    %c0_i32 = arith.constant 0 : i32
    %c0_i32_0 = arith.constant 0 : i32
    %c0_i32_1 = arith.constant 0 : i32
    return %c0_i32, %c0_i32_0 : i32, i32
  }
  func.func @transform_10(%arg0: i32) -> (i32, i32) {
    %c0_i32 = arith.constant 0 : i32
    %c0_i32_0 = arith.constant 0 : i32
    %c0_i32_1 = arith.constant 0 : i32
    return %c0_i32, %c0_i32_0 : i32, i32
  }
  func.func @transform_11(%arg0: i32) -> (i32, i32) {
    %c0_i32 = arith.constant 0 : i32
    %c0_i32_0 = arith.constant 0 : i32
    %c0_i32_1 = arith.constant 0 : i32
    return %c0_i32, %c0_i32_0 : i32, i32
  }
  func.func @transform_12(%arg0: i32) -> (i32, i32) {
    %c0_i32 = arith.constant 0 : i32
    %c0_i32_0 = arith.constant 0 : i32
    %c0_i32_1 = arith.constant 0 : i32
    return %c0_i32, %c0_i32_0 : i32, i32
  }
  func.func @transform_13(%arg0: i32) -> (i32, i32) {
    %c0_i32 = arith.constant 0 : i32
    %c0_i32_0 = arith.constant 0 : i32
    %c0_i32_1 = arith.constant 0 : i32
    return %c0_i32, %c0_i32_0 : i32, i32
  }
  func.func @transform_14(%arg0: i32) -> (i32, i32) {
    %c0_i32 = arith.constant 0 : i32
    %c0_i32_0 = arith.constant 0 : i32
    %c0_i32_1 = arith.constant 0 : i32
    return %c0_i32, %c0_i32_0 : i32, i32
  }
  func.func @transform_15(%arg0: i32) -> (i32, i32) {
    %c0_i32 = arith.constant 0 : i32
    %c0_i32_0 = arith.constant 0 : i32
    %c0_i32_1 = arith.constant 0 : i32
    return %c0_i32, %c0_i32_0 : i32, i32
  }
  func.func @transform_16(%arg0: i32) -> (i32, i32) {
    %c0_i32 = arith.constant 0 : i32
    %c0_i32_0 = arith.constant 0 : i32
    %c0_i32_1 = arith.constant 0 : i32
    return %c0_i32, %c0_i32_0 : i32, i32
  }
  func.func @transform_17(%arg0: i32) -> (i32, i32) {
    %c0_i32 = arith.constant 0 : i32
    %c0_i32_0 = arith.constant 0 : i32
    %c0_i32_1 = arith.constant 0 : i32
    return %c0_i32, %c0_i32_0 : i32, i32
  }
  func.func @transform_18(%arg0: i32) -> (i32, i32) {
    %c0_i32 = arith.constant 0 : i32
    %c0_i32_0 = arith.constant 0 : i32
    %c0_i32_1 = arith.constant 0 : i32
    return %c0_i32, %c0_i32_0 : i32, i32
  }
  func.func @transform_19(%arg0: i32) -> i32 {
    %c0_i32 = arith.constant 0 : i32
    return %arg0 : i32
  }
}

</mosaic_0001>

<sc_bundles>
// kernel: gather_offload_async_start
scs
__scs_entry_jumppad:
0x0: {  	(pc) =	sbr.rel $0x88, $3  }
0x1: {  	(tag) =	ssettag $0x0;
	lr =	simm.s32 $0x1  }
0x2: {  	[smem:$0x3F8E] =	sst lr;
	_ =	strace $0xD0000000  }
0x3: {  	_ = 	snop  }
0x4: {  	_ = 	snop  }
0x5: {  	_ = 	snop  }
0x6: {  	_ = 	snop  }
0x7: {  	_ = 	snop  }
__scs_overlays_trampoline_lowered:
0x8: {  	[smem:$0x3F9D] =	sst s0  }
0x9: {  	[smem:$0x3F9E] =	sst s1  }
0xa: {  	[smem:$0x3F9F] =	sst s2  }
0xb: {  	[smem:$0x3FA0] =	sst s3  }
0xc: {  	[smem:$0x3FA1] =	sst s4  }
0xd: {  	[smem:$0x3FA2] =	sst s5  }
0xe: {  	[smem:$0x3FA3] =	sst s6  }
0xf: {  	[smem:$0x3FA4] =	sst s7  }
0x10: {  	[smem:$0x3FA5] =	sst s8  }
0x11: {  	[smem:$0x3FA6] =	sst s9;
	s0 =	simm.s32 @!p0 $0x0  }
0x12: {  	s1 =	sld [smem:$0x3F8C];
	s0 =	simm.s32 @p0 $0x1  }
0x13: {  	[smem:$0x3FA7] =	sst s0;
	s0 =	simm.s32 @!p1 $0x0  }
0x14: {  	s2 =	sld [smem:$0x3F8B];
	s0 =	simm.s32 @p1 $0x1  }
0x15: {  	[smem:$0x3FA8] =	sst s0;
	s0 =	simm.s32 @!p2 $0x0  }
0x16: {  	s3 =	sld [smem:$0x3FDB];
	s0 =	simm.s32 @p2 $0x1  }
0x17: {  	s4 =	simm.s32 $0x1BF5;
	[smem:$0x3FAA] =	sst s0  }
0x18: {  	s0 =	sld [smem:$0x3F8D];
	_ =	swait.ge [sflag:s4], $0x0  }
0x19: {  	s7 =	sld [smem:$0x3F8E]  }
0x1a: {  	s8 =	sadd.s32 $0xFFFFE003, lr  }
0x1b: {  	s9 =	sadd.s32 $0xFFFFFEF7, lr;
	s5 =	simm.s32 $0xFFFFFFFF;
	p2 =	slt.u32 s8, $0xFFFFF086  }
0x1c: {  	p1 =	slt.u32 s9, $0xF7A;
	s5 =	simm.s32 @!p2 $0x0  }
0x1d: {  	s5 =	simm.s32 @p1 $0x1;
	p0 =	seq.s32 s7, s2  }
0x1e: {  	s7 =	smul.u32 @!p0 $0xF7A, s2;
	p2 =	seq.s32 @!p0 s5, $0x0  }
0x1f: {  	s9 =	smul.u32 $0xF7A, s1;
	s8 =	simm.s32 @!p0 $0x1BF5;
	p2 =	por !p2, p0  }
0x20: {  	[sflag:s8] =	ssyncset.s32 @!p0 $0xFFFFF086;
	s6 =	sadd.s32 @!p0 s3, s7;
	s7 =	simm.s32 @!p0 $0x108  }
0x21: {  	s3 =	sadd.s32 s3, s9;
	s6 =	sadd.s32 @!p0 $0x88, s6;
	s7 =	simm.s32 @p2 $0x1082  }
0x22: {  	[simem:s7], [sflag:s8] =	dma.local @!p0 [hbm:s6], $0xF7A  }
0x23: {  	s9 =	sor.u32 $0xD0000000, s2;
	s6 =	simm.s32 $0x108;
	_ =	swait.ge @!p0 [sflag:s8], $0x0  }
0x24: {  	s3 =	sadd.s32 $0x88, s3;
	s6 =	simm.s32 @!p1 $0x1082;
	[sflag:s4] =	ssyncset.s32 $0xFFFFF086  }
0x25: {  	[simem:s6], [sflag:s4] =	dma.local [hbm:s3], $0xF7A  }
0x26: {  	[smem:$0x3F8E] =	sst s1;
	(tag) =	ssettag s2;
	_ =	strace s9  }
0x27: {  	s1 =	sld [smem:$0x3F9E]  }
0x28: {  	s2 =	sld [smem:$0x3F9F]  }
0x29: {  	s4 =	sld [smem:$0x3FA1]  }
0x2a: {  	p0 =	seq.s32 s5, $0x0;
	s5 =	sld [smem:$0x3FA2]  }
0x2b: {  	s6 =	sld [smem:$0x3FA3]  }
0x2c: {  	s7 =	sld [smem:$0x3FA4]  }
0x2d: {  	s3 =	simm.s32 $0x108;
	s8 =	sld [smem:$0x3FA5]  }
0x2e: {  	s3 =	simm.s32 @!p0 $0x1082;
	s9 =	sld [smem:$0x3FA6]  }
0x2f: {  	lr =	sadd.s32 s0, s3;
	s0 =	sld [smem:$0x3F9D]  }
0x30: {  	s3 =	sld [smem:$0x3FA0]  }
0x31: {  	[smem:$0x3FA9] =	sst s10  }
0x32: {  	s10 =	sld [smem:$0x3FA7];
	_ =	sdelay $0x3  }
0x33: {  	p0 =	seq.s32 s10, $0x1;
	s10 =	sld [smem:$0x3FA9];
	_ =	sdelay $0x3  }
0x34: {  	[smem:$0x3FA9] =	sst s10  }
0x35: {  	s10 =	sld [smem:$0x3FA8];
	_ =	sdelay $0x3  }
0x36: {  	p1 =	seq.s32 s10, $0x1;
	s10 =	sld [smem:$0x3FA9];
	_ =	sdelay $0x3  }
0x37: {  	[smem:$0x3FA9] =	sst s10  }
0x38: {  	s10 =	sld [smem:$0x3FAA]  }
0x39: {  	_ = 	snop;
	(pc) =	sbr.ind lr, $3  }
0x3a: {  	_ = 	snop  }
0x3b: {  	_ = 	snop  }
0x3c: {  	p2 =	seq.s32 s10, $0x1;
	s10 =	sld [smem:$0x3FA9]  }
0x3d: {  	_ =	shalt  }
0x3e: {  	_ =	shalt  }
0x3f: {  	_ =	shalt  }
0x40: {  	_ =	shalt  }
0x41: {  	_ =	shalt  }
0x42: {  	_ =	shalt  }
0x43: {  	_ =	shalt  }
0x44: {  	_ =	shalt  }
0x45: {  	_ =	shalt  }
0x46: {  	_ =	shalt  }
0x47: {  	_ =	shalt  }
0x48: {  	_ =	shalt  }
0x49: {  	_ =	shalt  }
0x4a: {  	_ =	shalt  }
0x4b: {  	_ =	shalt  }
0x4c: {  	_ =	shalt  }
0x4d: {  	_ =	shalt  }
0x4e: {  	_ =	shalt  }
0x4f: {  	_ =	shalt  }
0x50: {  	_ =	shalt  }
0x51: {  	_ =	shalt  }
0x52: {  	_ =	shalt  }
0x53: {  	_ =	shalt  }
0x54: {  	_ =	shalt  }
0x55: {  	_ =	shalt  }
0x56: {  	_ =	shalt  }
0x57: {  	_ =	shalt  }
0x58: {  	_ =	shalt  }
0x59: {  	_ =	shalt  }
0x5a: {  	_ =	shalt  }
0x5b: {  	_ =	shalt  }
0x5c: {  	_ =	shalt  }
0x5d: {  	_ =	shalt  }
0x5e: {  	_ =	shalt  }
0x5f: {  	_ =	shalt  }
0x60: {  	_ =	shalt  }
0x61: {  	_ =	shalt  }
0x62: {  	_ =	shalt  }
0x63: {  	_ =	shalt  }
0x64: {  	_ =	shalt  }
0x65: {  	_ =	shalt  }
0x66: {  	_ =	shalt  }
0x67: {  	_ =	shalt  }
0x68: {  	_ =	shalt  }
0x69: {  	_ =	shalt  }
0x6a: {  	_ =	shalt  }
0x6b: {  	_ =	shalt  }
0x6c: {  	_ =	shalt  }
0x6d: {  	_ =	shalt  }
0x6e: {  	_ =	shalt  }
0x6f: {  	_ =	shalt  }
0x70: {  	_ =	shalt  }
0x71: {  	_ =	shalt  }
0x72: {  	_ =	shalt  }
0x73: {  	_ =	shalt  }
0x74: {  	_ =	shalt  }
0x75: {  	_ =	shalt  }
0x76: {  	_ =	shalt  }
0x77: {  	_ =	shalt  }
0x78: {  	_ =	shalt  }
0x79: {  	_ =	shalt  }
0x7a: {  	_ =	shalt  }
0x7b: {  	_ =	shalt  }
0x7c: {  	_ =	shalt  }
0x7d: {  	_ =	shalt  }
0x7e: {  	_ =	shalt  }
0x7f: {  	_ =	shalt  }
0x80: {  	_ =	shalt  }
0x81: {  	_ =	shalt  }
0x82: {  	_ =	shalt  }
0x83: {  	_ =	shalt  }
0x84: {  	_ =	shalt  }
0x85: {  	_ =	shalt  }
0x86: {  	_ =	shalt  }
0x87: {  	_ =	shalt  }
.Lfunc_end0:
.L_simem_size_0:
called_computation_lowered:
.L_overlay_start_0:
0x88: {  	s2 =	sld [smem:$0x3FD9]  }
0x89: {  	s3 =	sld [smem:$0x3FFE];
	_ =	sdelay $0x1  }
0x8a: {  	s1 =	srdreg.scid  }
0x8b: {  	s0 =	sand.u32 $0x1, s1  }
0x8c: {  	s17 =	sshll.u32 s0, $0xA;
	s2 =	sadd.s32 s3, s2  }
0x8d: {  	s2 =	sadd.s32 s2, s17  }
0x8e: {  	[smem:$0x3FB5] =	sst s2  }
0x8f: {  	_ = 	snop  }
0x90: {  	s2 =	sld [smem:$0x3FC7];
	(tm) =	ssettm $0x1  }
0x91: {  	s18 =	sld [smem:$0x3FFB];
	_ =	sdelay $0x3  }
0x92: {  	_ =	strace s18  }
0x93: {  	s3 =	sld [smem:$0x3FFC];
	_ =	sdelay $0x3  }
0x94: {  	_ =	strace s3  }
0x95: {  	s3 =	sld [smem:$0x3FFD];
	_ =	sdelay $0x3  }
0x96: {  	_ =	strace s3  }
0x97: {  	_ =	strace $0x8FFFFFFF  }
0x98: {  	s19 =	sld [smem:$0x3FDB];
	_ =	sdelay $0x1  }
0x99: {  	s4 =	simm.s32 $_scs_section_size  }
0x9a: {  	s5 =	simm.s32 $_size__tile_overlayer_lowered;
	s6 =	simm.s32 $_tile_overlayer_lowered  }
0x9b: {  	s22 =	simm.s32 $0x1BFF;
	s21 =	sshll.u32 s6, $0x1;
	s3 =	sadd.s32 s4, s19  }
0x9c: {  	s7 =	simm.s32 $0x0;
	s20 =	sshll.u32 s5, $0x1;
	s5 =	sadd.s32 s21, s3  }
0x9d: {  	[timem:s7], [sflag:s22] =	dma.local [hbm:s5], s20  }
0x9e: {  	_ =	swait.ge [sflag:s22], s20  }
0x9f: {  	s4 =	ssub.s32 $0x0, s20;
	[sflag:s22] =	ssyncset.done $0x0  }
0xa0: {  	[sflag:s22] =	ssyncadd.s32 s4;
	_ =	sdelay $0x1  }
0xa1: {  	s23 =	simm.s32 $0x1B8B  }
0xa2: {  	_ =	swait.ge [sflag:s23], $0x1  }
0xa3: {  	[sflag:s23] =	ssyncset.done $0x0  }
0xa4: {  	s25 =	simm.s32 $0x1B8E;
	s24 =	sld [smem:$0x3FFE];
	[sflag:s23] =	ssyncadd.s32 $0xFFFFFFFF  }
0xa5: {  	s26 =	simm.s32 $execute0_lowered;
	[smem:$0x3FD2] =	sst s25  }
0xa6: {  	s5 =	sshll.u32 s26, $0x1;
	_ =	strace $0x80000046;
	[dreg:$0x1] =	wrdreg $0xFFFFFFFF  }
0xa7: {  	s28 =	simm.s32 $_size_execute0_lowered;
	s3 =	sadd.s32 s3, s5;
	[dreg:$0x0] =	wrdreg $0x0  }
0xa8: {  	s5 =	sshll.u32 s28, $0x1;
	[dreg:$0x2] =	wrdreg s3  }
0xa9: {  	[dreg:$0x3] =	wrdreg s5  }
0xaa: {  	[dreg:$0x4] =	wrdreg $0xC0  }
0xab: {  	_ =	task [dreg:s7], $0x5FFFF  }
0xac: {  	[dreg:$0x1] =	wrdreg $0xFFFFFFFF  }
0xad: {  	[dreg:$0x0] =	wrdreg $0x60  }
0xae: {  	[dreg:$0x2] =	wrdreg s2  }
0xaf: {  	[dreg:$0x3] =	wrdreg s24  }
0xb0: {  	[dreg:$0x4] =	wrdreg $0x9  }
0xb1: {  	_ =	task.clear_ibuf [dreg:s7], $0x5FFFF;
	_ =	strace $0x90000046  }
0xb2: {  	s29 =	simm.s32 $0x9;
	_ =	strace $0x80000048  }
0xb3: {  	_ =	swait.ge [sflag:s29], $0x1  }
0xb4: {  	[sflag:s29] =	ssyncadd.s32 $0xFFFFFFFF  }
0xb5: {  	_ =	strace $0x90000048  }
0xb6: {  	_ =	sfence  }
0xb7: {  	s30 =	sld [smem:$0x0];
	_ =	sdelay $0x2  }
0xb8: {  	s31 =	sshll.u32 s1, $0xD;
	s1 =	sshrl.u32 s1, $0x2  }
0xb9: {  	s3 =	sand.u32 $0x4000, s31;
	s1 =	sadd.s32 s1, s30  }
0xba: {  	s0 =	sor.u32 s3, s0;
	s1 =	sshll.u32 s1, $0x11  }
0xbb: {  	s0 =	sor.u32 s1, s0  }
0xbc: {  	s0 =	sadd.s32 $0x8F2B, s0  }
0xbd: {  	[sflag:s0] =	ssyncadd.remote.s32 $0x1  }
0xbe: {  	_ =	sfence.sel $0xFFFF  }
0xbf: {  	[dreg:$0x0] =	wrdreg $0xFFFFFFFF;
	(pc) =	sbr.abs _section_cstart, $3  }
0xc0: {  	[dreg:$0x1] =	wrdreg $0xFFFFFFFF  }
0xc1: {  	_ =	task.clear_ibuf [dreg:s7], $0x2FFFF;
	_ =	strace $0x9FFFFFFF  }
0xc2: {  	(tm) =	ssettm $0x7FFFFFFF  }
0xc3: {  	_ =	shalt  }
tec
execute0_lowered:
.L_overlay_start_1:
0x0: {  	(tag) =	ssettag $0x1  }
0x1: {  	s0 =	stileid.u32;
	s2 =	rddreg [dreg:$0x0]  }
0x2: {  	s1 =	srdreg.scid;
	s9 =	rddreg [dreg:$0x1]  }
0x3: {  	s4 =	simm.s32 $0x1;
	s6 =	simm.s32 $0x2;
	s11 =	simm.s32 $0x1  }
0x4: {  	s31 =	simm.s32 $0x3;
	s1 =	sand.u32 $0x1, s1;
	s3 =	sshll.u32 s0, $0x1  }
0x5: {  	s13 =	simm.s32 $0x0;
	s12 =	simm.s32 $0x0;
	s7 =	sor.u32 s3, s1  }
0x6: {  	s1 =	rddreg [dreg:$0x2];
	_ =	strace $0x80000047;
	s3 =	smul.u32 $0xD00, s7  }
0x7: {  	[sflag:s4] =	ssyncpa.u1 $0x0;
	p0 =	seq.s32 s7, $0x0;
	s7 =	simm.s32 $0x1A000  }
0x8: {  	s7 =	simm.s32 @!p0 $0x0;
	s11 =	simm.s32 @!p0 $0x0;
	[sflag:s6] =	ssyncpa.u1 $0x0  }
.Ltmp0:
0x9: {  	s5 =	sshrl.u32 s3, $0x3;
	s10 =	ssub.s32 $0x1A000, s3;
	(pc) =	sbr.rel .LBB2_1-.Ltmp0, $4  }
0xa: {  	[sflag:s31] =	ssyncpa.u1 $0x0;
	p0 =	sne.s32 s10, s7;
	s7 =	simm.s32 $0x1  }
0xb: {  	s8 =	sadd.s32 s5, s9;
	s5 =	sadd.s32 $0x6000, s9;
	s7 =	simm.s32 @!p0 $0x0  }
0xc: {  	s9 =	sadd.s32 $0x20000, s9;
	s8 =	sadd.s32 $0x2C00, s8;
	s7 =	sadd.s32 s11, s7  }
0xd: {  	vm0 =	vmmov $0xffff;
	p0 =	por $0x0, $0x0;
	s11 =	simm.s32 $0x0;
	s10 =	sadd.s32 $0x1, s7  }
.LBB2_4:
0xe: {  	_ =	sdelay $0x2  }
0xf: {  	(ifvalue) =	ssetifvalue $0x7FFFFFFF  }
0x10: {  	[tilespmem:s20], [sflag:$0x1] =	stream.indirect_vreg.gather [hbm4b:s2+s11], $0x1, v0, vm0, $0x4038;
	[tilespmem:$0x1BA00] =	vst v63  }
0x11: {  	_ =	swait.ge [sflag:s4], $0xD000  }
0x12: {  	[sflag:s4] =	ssyncset.done $0x0  }
0x13: {  	s16 =	sadd.s32 s5, s13;
	[sflag:s4] =	ssyncadd.s32 $0xFFFF3000  }
0x14: {  	[hbm:s16] =	stream.linear.scatter [tilespmem:s15], [sflag:$0x3], $0x6800, $0x38;
	[tilespmem:$0x1BA00] =	vst v63  }
0x15: {  	s14 =	sadd.s32 $0x8200, s14;
	s31 =	sadd.s32 s13, s9  }
0x16: {  	[hbm:s31] =	stream.linear.scatter [tilespmem:s14], [sflag:$0x3], $0x6800, $0x38;
	[tilespmem:$0x1BA00] =	vst v63  }
.LBB2_5:
0x17: {  	p2 =	sne.s32 s12, s10  }
.Ltmp1:
0x18: {  	p1 =	slt.u32 s12, $0x2;
	(pc) =	sbr.rel @!p2 .LBB2_6-.Ltmp1, $4  }
0x19: {  	s13 =	simm.s32 @!p1 $0x3  }
0x1a: {  	_ =	swait.ge @!p1 [sflag:s13], $0xD000  }
0x1b: {  	s14 =	sadd.s32 $0x1, s12;
	p0 =	por !p0, !p0;
	[sflag:s13] =	ssyncset.done @!p1 $0x0  }
0x1c: {  	s12 =	smov.u32 s14;
	[sflag:s13] =	ssyncadd.s32 @!p1 $0xFFFF3000;
	s13 =	smov.u32 s3  }
.LBB2_1:
0x1d: {  	p1 =	sge.u32 s12, s7  }
0x1e: {  	s14 =	sxor.u32 @!p1 $0x1, s12  }
0x1f: {  	s14 =	smul.u32 @!p1 $0x3400, s14;
	_ =	sdelay $0x1  }
0x20: {  	s31 =	sadd.s32 $0xFFFFFFFF, s12;
	s15 =	simm.s32 @!p1 $0x0;
	s14 =	sshra.s32 @!p1 s14, $0x2  }
0x21: {  	[tilespmem:s14], [sflag:$0x2] =	stream.linear.gather @!p1 [hbm4b:s8+s15], $0xD00, $0x38;
	[tilespmem:$0x1BA00] =	vst v63  }
0x22: {  	p1 =	sge.u32 s31, s7  }
.Ltmp2:
0x23: {  	_ = 	snop;
	(pc) =	sbr.rel @p1 .LBB2_5-.Ltmp2, $1  }
0x24: {  	_ =	sdelay $0x3  }
0x25: {  	s14 =	simm.s32 $0x1  }
0x26: {  	s14 =	simm.s32 @!p0 $0x0  }
0x27: {  	_ =	swait.ge [sflag:s6], $0xD00;
	s14 =	smul.u32 $0x3400, s14  }
0x28: {  	[sflag:s6] =	ssyncset.done $0x0  }
0x29: {  	[sflag:s6] =	ssyncadd.s32 $0xFFFFF300;
	s18 =	sshrl.u32 s14, $0x2  }
0x2a: {  	v0 =	vld.msk [tilespmem:s18+$0x0 ss:$0x1], $0xffff;
	_ =	sdelay $0x4  }
0x2b: {  	v1 =	vshrl.u32 v0, $0x5  }
0x2c: {  	v2 =	vand.u32 $0x1F, v0;
	vm1 =	veq.s32 v0, $0x80000000;
	v0 =	vand.u32 $0x1FFFF, v1  }
0x2d: {  	v1 =	vmul.u32 $0x187000, v2;
	v0 =	vsel vm1, $0xFFFFFFFF, v0  }
0x2e: {  	v2 =	vshll.u32 v0, $0x3  }
0x2f: {  	s30 =	sand.u32 $0x1, s12;
	v1 =	vsel vm1, $0xFFE79000, v1;
	v2 =	vand.u32 $0xFFFFFC00, v2  }
0x30: {  	s14 =	smul.u32 $0x34000, s30;
	v0 =	vand.u32 $0x7F, v0;
	v1 =	vadd.s32 v1, v2  }
0x31: {  	v0 =	vor.u32 v0, v1  }
0x32: {  	s16 =	simm.s32 $0x0;
	s14 =	sshrl.u32 s14, $0x2  }
0x33: {  	s17 =	sand.u32 $0x7C00, s16;
	s15 =	sadd.s32 $0x1A00, s14  }
0x34: {  	s19 =	sand.u32 $0x70, s16;
	(ifvalue) =	ssetifvalue $0x7FFFFFFF;
	s17 =	sadd.s32 s17, s15;
	v1 =	vor.u32 $0x80, v0  }
0x35: {  	(ifvalue) =	ssetifvalue $0x7FFFFFFF;
	s19 =	sadd.s32 s19, s17  }
0x36: {  	[tilespmem:s19], [sflag:$0x1] =	stream.indirect_vreg.gather [hbm4b:s2+s11], $0x1, v0, vm0, $0x4038;
	[tilespmem:$0x1BA00] =	vst v63  }
0x37: {  	v2 =	vor.u32 $0x100, v0;
	(ifvalue) =	ssetifvalue $0x7FFFFFFF  }
0x38: {  	s17 =	sadd.s32 $0x80, s19;
	(ifvalue) =	ssetifvalue $0x7FFFFFFF  }
0x39: {  	[tilespmem:s17], [sflag:$0x1] =	stream.indirect_vreg.gather [hbm4b:s2+s11], $0x1, v1, vm0, $0x4038;
	[tilespmem:$0x1BA00] =	vst v63  }
0x3a: {  	v1 =	vor.u32 $0x180, v0;
	(ifvalue) =	ssetifvalue $0x7FFFFFFF  }
0x3b: {  	s31 =	sadd.s32 $0x100, s19;
	(ifvalue) =	ssetifvalue $0x7FFFFFFF  }
0x3c: {  	[tilespmem:s31], [sflag:$0x1] =	stream.indirect_vreg.gather [hbm4b:s2+s11], $0x1, v2, vm0, $0x4038;
	[tilespmem:$0x1BA00] =	vst v63  }
0x3d: {  	v2 =	vor.u32 $0x200, v0;
	(ifvalue) =	ssetifvalue $0x7FFFFFFF  }
0x3e: {  	s20 =	sadd.s32 $0x180, s19;
	(ifvalue) =	ssetifvalue $0x7FFFFFFF  }
0x3f: {  	[tilespmem:s20], [sflag:$0x1] =	stream.indirect_vreg.gather [hbm4b:s2+s11], $0x1, v1, vm0, $0x4038;
	[tilespmem:$0x1BA00] =	vst v63  }
0x40: {  	(ifvalue) =	ssetifvalue $0x7FFFFFFF;
	v1 =	vor.u32 $0x280, v0  }
0x41: {  	s21 =	sadd.s32 $0x200, s19;
	(ifvalue) =	ssetifvalue $0x7FFFFFFF  }
0x42: {  	[tilespmem:s21], [sflag:$0x1] =	stream.indirect_vreg.gather [hbm4b:s2+s11], $0x1, v2, vm0, $0x4038;
	[tilespmem:$0x1BA00] =	vst v63  }
0x43: {  	(ifvalue) =	ssetifvalue $0x7FFFFFFF;
	v2 =	vor.u32 $0x300, v0  }
0x44: {  	s23 =	sand.u32 $0x7, s16;
	s22 =	sadd.s32 $0x280, s19;
	(ifvalue) =	ssetifvalue $0x7FFFFFFF  }
0x45: {  	[tilespmem:s22], [sflag:$0x1] =	stream.indirect_vreg.gather [hbm4b:s2+s11], $0x1, v1, vm0, $0x4038;
	[tilespmem:$0x1BA00] =	vst v63  }
0x46: {  	s17 =	sshll.u32 s23, $0x4;
	(ifvalue) =	ssetifvalue $0x7FFFFFFF;
	v1 =	vor.u32 $0x380, v0  }
0x47: {  	s17 =	sadd.s32 $0x0, s17;
	s20 =	sadd.s32 $0x300, s19;
	(ifvalue) =	ssetifvalue $0x7FFFFFFF  }
0x48: {  	[tilespmem:s20], [sflag:$0x1] =	stream.indirect_vreg.gather [hbm4b:s2+s11], $0x1, v2, vm0, $0x4038;
	[tilespmem:$0x1BA00] =	vst v63  }
0x49: {  	s17 =	sor.u32 $0x380, s17;
	(ifvalue) =	ssetifvalue $0x7FFFFFFF;
	v2 =	vadd.s32 $0xC3800, v0  }
0x4a: {  	s17 =	sadd.s32 s17, s15;
	(ifvalue) =	ssetifvalue $0x7FFFFFFF  }
0x4b: {  	[tilespmem:s17], [sflag:$0x1] =	stream.indirect_vreg.gather [hbm4b:s2+s11], $0x1, v1, vm0, $0x4038;
	[tilespmem:$0x1BA00] =	vst v63  }
0x4c: {  	v1 =	vadd.s32 $0xC3880, v0;
	(ifvalue) =	ssetifvalue $0x7FFFFFFF  }
0x4d: {  	s24 =	sadd.s32 $0x6800, s19;
	(ifvalue) =	ssetifvalue $0x7FFFFFFF  }
0x4e: {  	[tilespmem:s24], [sflag:$0x1] =	stream.indirect_vreg.gather [hbm4b:s2+s11], $0x1, v2, vm0, $0x4038;
	[tilespmem:$0x1BA00] =	vst v63  }
0x4f: {  	v2 =	vadd.s32 $0xC3900, v0;
	(ifvalue) =	ssetifvalue $0x7FFFFFFF  }
0x50: {  	s25 =	sadd.s32 $0x6880, s19;
	(ifvalue) =	ssetifvalue $0x7FFFFFFF  }
0x51: {  	[tilespmem:s25], [sflag:$0x1] =	stream.indirect_vreg.gather [hbm4b:s2+s11], $0x1, v1, vm0, $0x4038;
	[tilespmem:$0x1BA00] =	vst v63  }
0x52: {  	v1 =	vadd.s32 $0xC3980, v0;
	(ifvalue) =	ssetifvalue $0x7FFFFFFF  }
0x53: {  	s26 =	sadd.s32 $0x6900, s19;
	(ifvalue) =	ssetifvalue $0x7FFFFFFF  }
0x54: {  	[tilespmem:s26], [sflag:$0x1] =	stream.indirect_vreg.gather [hbm4b:s2+s11], $0x1, v2, vm0, $0x4038;
	[tilespmem:$0x1BA00] =	vst v63  }
0x55: {  	v2 =	vadd.s32 $0xC3A00, v0;
	(ifvalue) =	ssetifvalue $0x7FFFFFFF  }
0x56: {  	s28 =	sadd.s32 $0x6980, s19;
	(ifvalue) =	ssetifvalue $0x7FFFFFFF  }
0x57: {  	[tilespmem:s28], [sflag:$0x1] =	stream.indirect_vreg.gather [hbm4b:s2+s11], $0x1, v1, vm0, $0x4038;
	[tilespmem:$0x1BA00] =	vst v63  }
0x58: {  	v1 =	vadd.s32 $0xC3A80, v0;
	(ifvalue) =	ssetifvalue $0x7FFFFFFF  }
0x59: {  	s29 =	sadd.s32 $0x6A00, s19;
	(ifvalue) =	ssetifvalue $0x7FFFFFFF  }
0x5a: {  	[tilespmem:s29], [sflag:$0x1] =	stream.indirect_vreg.gather [hbm4b:s2+s11], $0x1, v2, vm0, $0x4038;
	[tilespmem:$0x1BA00] =	vst v63  }
0x5b: {  	v2 =	vadd.s32 $0xC3B00, v0;
	(ifvalue) =	ssetifvalue $0x7FFFFFFF  }
0x5c: {  	s30 =	sadd.s32 $0x6A80, s19;
	(ifvalue) =	ssetifvalue $0x7FFFFFFF  }
0x5d: {  	[tilespmem:s30], [sflag:$0x1] =	stream.indirect_vreg.gather [hbm4b:s2+s11], $0x1, v1, vm0, $0x4038;
	[tilespmem:$0x1BA00] =	vst v63  }
0x5e: {  	s18 =	sadd.s32 $0x10, s18;
	v0 =	vadd.s32 $0xC3B80, v0;
	(ifvalue) =	ssetifvalue $0x7FFFFFFF  }
0x5f: {  	s31 =	sadd.s32 $0x6B00, s19;
	s20 =	sadd.s32 $0x6B80, s19;
	(ifvalue) =	ssetifvalue $0x7FFFFFFF  }
0x60: {  	[tilespmem:s31], [sflag:$0x1] =	stream.indirect_vreg.gather [hbm4b:s2+s11], $0x1, v2, vm0, $0x4038;
	[tilespmem:$0x1BA00] =	vst v63  }
0x61: {  	s19 =	simm.s32 $0x0;
	s17 =	simm.s32 $0x10;
	(ifvalue) =	ssetifvalue $0x7FFFFFFF  }
.LBB2_3:
0x62: {  	(ifvalue) =	ssetifvalue $0x7FFFFFFF;
	s16 =	sadd.s32 $0x80, s16;
	s19 =	sadd.s32 $0x1, s19  }
0x63: {  	[tilespmem:s20], [sflag:$0x1] =	stream.indirect_vreg.gather [hbm4b:s2+s11], $0x1, v0, vm0, $0x4038;
	[tilespmem:$0x1BA00] =	vst v63  }
0x64: {  	p1 =	sne.s32 s17, $0xCF0;
	s20 =	smov.u32 s17;
	s17 =	sadd.s32 $0x10, s17;
	v0 =	vld.msk [tilespmem:s18+$0x0 ss:$0x1], $0xffff  }
0x65: {  	(ifvalue) =	ssetifvalue $0x7FFFFFFF;
	_ =	sdelay $0x4  }
0x66: {  	v1 =	vand.u32 $0x1F, v0;
	v2 =	vshrl.u32 v0, $0x5  }
0x67: {  	vm1 =	veq.s32 v0, $0x80000000;
	v0 =	vand.u32 $0x1FFFF, v2;
	v1 =	vmul.u32 $0x187000, v1  }
0x68: {  	v0 =	vsel vm1, $0xFFFFFFFF, v0  }
0x69: {  	v1 =	vsel vm1, $0xFFE79000, v1;
	v2 =	vshll.u32 v0, $0x3  }
0x6a: {  	v2 =	vand.u32 $0xFFFFFC00, v2  }
0x6b: {  	v0 =	vand.u32 $0x7F, v0;
	v1 =	vadd.s32 v1, v2  }
0x6c: {  	v0 =	vor.u32 v0, v1;
	_ =	sdelay $0x1  }
0x6d: {  	s21 =	sand.u32 $0x7C00, s16  }
0x6e: {  	s20 =	sand.u32 $0x70, s20;
	s21 =	sadd.s32 s21, s15;
	v1 =	vor.u32 $0x80, v0  }
0x6f: {  	s20 =	sadd.s32 s20, s21;
	(ifvalue) =	ssetifvalue $0x7FFFFFFF  }
0x70: {  	[tilespmem:s20], [sflag:$0x1] =	stream.indirect_vreg.gather [hbm4b:s2+s11], $0x1, v0, vm0, $0x4038;
	[tilespmem:$0x1BA00] =	vst v63  }
0x71: {  	v2 =	vor.u32 $0x100, v0;
	(ifvalue) =	ssetifvalue $0x7FFFFFFF  }
0x72: {  	s21 =	sadd.s32 $0x80, s20;
	(ifvalue) =	ssetifvalue $0x7FFFFFFF  }
0x73: {  	[tilespmem:s21], [sflag:$0x1] =	stream.indirect_vreg.gather [hbm4b:s2+s11], $0x1, v1, vm0, $0x4038;
	[tilespmem:$0x1BA00] =	vst v63  }
0x74: {  	v1 =	vor.u32 $0x180, v0;
	(ifvalue) =	ssetifvalue $0x7FFFFFFF  }
0x75: {  	s21 =	sadd.s32 $0x100, s20;
	(ifvalue) =	ssetifvalue $0x7FFFFFFF  }
0x76: {  	[tilespmem:s21], [sflag:$0x1] =	stream.indirect_vreg.gather [hbm4b:s2+s11], $0x1, v2, vm0, $0x4038;
	[tilespmem:$0x1BA00] =	vst v63  }
0x77: {  	v2 =	vor.u32 $0x200, v0;
	(ifvalue) =	ssetifvalue $0x7FFFFFFF  }
0x78: {  	s21 =	sadd.s32 $0x180, s20;
	(ifvalue) =	ssetifvalue $0x7FFFFFFF  }
0x79: {  	[tilespmem:s21], [sflag:$0x1] =	stream.indirect_vreg.gather [hbm4b:s2+s11], $0x1, v1, vm0, $0x4038;
	[tilespmem:$0x1BA00] =	vst v63  }
0x7a: {  	v1 =	vor.u32 $0x280, v0;
	(ifvalue) =	ssetifvalue $0x7FFFFFFF  }
0x7b: {  	s21 =	sadd.s32 $0x200, s20;
	(ifvalue) =	ssetifvalue $0x7FFFFFFF  }
0x7c: {  	[tilespmem:s21], [sflag:$0x1] =	stream.indirect_vreg.gather [hbm4b:s2+s11], $0x1, v2, vm0, $0x4038;
	[tilespmem:$0x1BA00] =	vst v63  }
0x7d: {  	v2 =	vor.u32 $0x300, v0;
	(ifvalue) =	ssetifvalue $0x7FFFFFFF  }
0x7e: {  	s21 =	sadd.s32 $0x280, s20;
	(ifvalue) =	ssetifvalue $0x7FFFFFFF  }
0x7f: {  	[tilespmem:s21], [sflag:$0x1] =	stream.indirect_vreg.gather [hbm4b:s2+s11], $0x1, v1, vm0, $0x4038;
	[tilespmem:$0x1BA00] =	vst v63  }
0x80: {  	s21 =	sand.u32 $0x7, s19;
	v1 =	vor.u32 $0x380, v0;
	(ifvalue) =	ssetifvalue $0x7FFFFFFF  }
0x81: {  	s22 =	sadd.s32 $0x300, s20;
	s21 =	sshll.u32 s21, $0x4;
	(ifvalue) =	ssetifvalue $0x7FFFFFFF  }
0x82: {  	[tilespmem:s22], [sflag:$0x1] =	stream.indirect_vreg.gather [hbm4b:s2+s11], $0x1, v2, vm0, $0x4038;
	[tilespmem:$0x1BA00] =	vst v63  }
0x83: {  	s21 =	sadd.s32 s21, s16;
	v2 =	vadd.s32 $0xC3800, v0;
	(ifvalue) =	ssetifvalue $0x7FFFFFFF  }
0x84: {  	s21 =	sor.u32 $0x380, s21;
	(ifvalue) =	ssetifvalue $0x7FFFFFFF  }
0x85: {  	s21 =	sadd.s32 s21, s15  }
0x86: {  	[tilespmem:s21], [sflag:$0x1] =	stream.indirect_vreg.gather [hbm4b:s2+s11], $0x1, v1, vm0, $0x4038;
	v1 =	vadd.s32 $0xC3880, v0;
	[tilespmem:$0x1BA00] =	vst v63  }
0x87: {  	s21 =	sadd.s32 $0x6800, s20;
	(ifvalue) =	ssetifvalue $0x7FFFFFFF  }
0x88: {  	(ifvalue) =	ssetifvalue $0x7FFFFFFF  }
0x89: {  	[tilespmem:s21], [sflag:$0x1] =	stream.indirect_vreg.gather [hbm4b:s2+s11], $0x1, v2, vm0, $0x4038;
	v2 =	vadd.s32 $0xC3900, v0;
	[tilespmem:$0x1BA00] =	vst v63  }
0x8a: {  	s21 =	sadd.s32 $0x6880, s20;
	(ifvalue) =	ssetifvalue $0x7FFFFFFF  }
0x8b: {  	(ifvalue) =	ssetifvalue $0x7FFFFFFF  }
0x8c: {  	[tilespmem:s21], [sflag:$0x1] =	stream.indirect_vreg.gather [hbm4b:s2+s11], $0x1, v1, vm0, $0x4038;
	v1 =	vadd.s32 $0xC3980, v0;
	[tilespmem:$0x1BA00] =	vst v63  }
0x8d: {  	s21 =	sadd.s32 $0x6900, s20;
	(ifvalue) =	ssetifvalue $0x7FFFFFFF  }
0x8e: {  	(ifvalue) =	ssetifvalue $0x7FFFFFFF  }
0x8f: {  	[tilespmem:s21], [sflag:$0x1] =	stream.indirect_vreg.gather [hbm4b:s2+s11], $0x1, v2, vm0, $0x4038;
	v2 =	vadd.s32 $0xC3A00, v0;
	[tilespmem:$0x1BA00] =	vst v63  }
0x90: {  	s21 =	sadd.s32 $0x6980, s20;
	(ifvalue) =	ssetifvalue $0x7FFFFFFF  }
0x91: {  	(ifvalue) =	ssetifvalue $0x7FFFFFFF  }
0x92: {  	[tilespmem:s21], [sflag:$0x1] =	stream.indirect_vreg.gather [hbm4b:s2+s11], $0x1, v1, vm0, $0x4038;
	v1 =	vadd.s32 $0xC3A80, v0;
	[tilespmem:$0x1BA00] =	vst v63  }
0x93: {  	s21 =	sadd.s32 $0x6A00, s20;
	(ifvalue) =	ssetifvalue $0x7FFFFFFF  }
0x94: {  	(ifvalue) =	ssetifvalue $0x7FFFFFFF  }
0x95: {  	[tilespmem:s21], [sflag:$0x1] =	stream.indirect_vreg.gather [hbm4b:s2+s11], $0x1, v2, vm0, $0x4038;
	v2 =	vadd.s32 $0xC3B00, v0;
	[tilespmem:$0x1BA00] =	vst v63  }
0x96: {  	s21 =	sadd.s32 $0x6A80, s20;
	(ifvalue) =	ssetifvalue $0x7FFFFFFF  }
0x97: {  	(ifvalue) =	ssetifvalue $0x7FFFFFFF  }
0x98: {  	[tilespmem:s21], [sflag:$0x1] =	stream.indirect_vreg.gather [hbm4b:s2+s11], $0x1, v1, vm0, $0x4038;
	[tilespmem:$0x1BA00] =	vst v63  }
.Ltmp3:
0x99: {  	v0 =	vadd.s32 $0xC3B80, v0;
	(pc) =	sbr.rel @p1 .LBB2_3-.Ltmp3, $4  }
0x9a: {  	s21 =	sadd.s32 $0x6B00, s20;
	(ifvalue) =	ssetifvalue $0x7FFFFFFF  }
0x9b: {  	(ifvalue) =	ssetifvalue $0x7FFFFFFF  }
0x9c: {  	[tilespmem:s21], [sflag:$0x1] =	stream.indirect_vreg.gather [hbm4b:s2+s11], $0x1, v2, vm0, $0x4038;
	[tilespmem:$0x1BA00] =	vst v63  }
0x9d: {  	s18 =	sadd.s32 $0x10, s18;
	s20 =	sadd.s32 $0x6B80, s20;
	(ifvalue) =	ssetifvalue $0x7FFFFFFF  }
.Ltmp4:
0x9e: {  	_ = 	snop;
	(pc) =	sbr.rel .LBB2_4-.Ltmp4, $1  }
0x9f: {  	_ =	sdelay $0x3  }
.LBB2_6:
0xa0: {  	_ =	sfence.sel $0x180000  }
0xa1: {  	s2 =	simm.s32 $0x2;
	[bflag:$0x0] =	sbarrier.arrive $0xFFFF  }
0xa2: {  	s30 =	simm.s32 $0x3;
	[sflag:s2] =	ssyncpa.u1 $0x1  }
0xa3: {  	s31 =	simm.s32 $0x1;
	[sflag:s30] =	ssyncpa.u1 $0x1  }
0xa4: {  	[sflag:s31] =	ssyncpa.u1 $0x1  }
0xa5: {  	p0 =	sne.s32 s0, $0x0;
	_ =	strace $0x90000047  }
0xa6: {  	s0 =	sadd.s32 @!p0 $0x100000, s1;
	[bflag:$0x2] =	sbarrier.arrive $0xFFFF  }
0xa7: {  	[sflag:s0] =	ssyncadd.tile.s32 @!p0 $0x1;
	_ =	shalt  }
.Lfunc_end2:
_tile_overlayer_lowered:
.L_overlay_start_2:
0xa8: {  	(tag) =	ssettag $0x2  }
0xa9: {  	s0 =	rddreg [dreg:$0x0];
	s2 =	stileid.u32  }
0xaa: {  	s1 =	rddreg [dreg:$0x1];
	p0 =	sne.s32 s2, $0x0  }
0xab: {  	s3 =	rddreg [dreg:$0x2];
	[bflag:$0x3] =	sbarrier.arrive $0xFFFF;
	s2 =	simm.s32 @!p0 $0x1C01  }
0xac: {  	[timem:s3], [sflag:s2] =	dma.local @!p0 [hbm:s0], s1  }
0xad: {  	s0 =	simm.s32 @!p0 $0x1  }
0xae: {  	_ =	swait.ge @!p0 [sflag:s0], s1  }
0xaf: {  	s1 =	ssub.s32 @!p0 $0x0, s1;
	[sflag:s0] =	ssyncset.done @!p0 $0x0  }
0xb0: {  	[sflag:s0] =	ssyncadd.s32 @!p0 s1  }
0xb1: {  	[bflag:$0x3] =	sbarrier.arrive $0xFFFF  }
0xb2: {  	_ =	shalt  }

// kernel: kernel.4.cloned.1.call-start
scs
__scs_entry_jumppad:
0x0: {  	(pc) =	sbr.rel $0x88, $3  }
0x1: {  	(tag) =	ssettag $0x0;
	lr =	simm.s32 $0x1  }
0x2: {  	[smem:$0x3F8E] =	sst lr;
	_ =	strace $0xD0000000  }
0x3: {  	_ = 	snop  }
0x4: {  	_ = 	snop  }
0x5: {  	_ = 	snop  }
0x6: {  	_ = 	snop  }
0x7: {  	_ = 	snop  }
__scs_overlays_trampoline_lowered:
0x8: {  	[smem:$0x3F9D] =	sst s0  }
0x9: {  	[smem:$0x3F9E] =	sst s1  }
0xa: {  	[smem:$0x3F9F] =	sst s2  }
0xb: {  	[smem:$0x3FA0] =	sst s3  }
0xc: {  	[smem:$0x3FA1] =	sst s4  }
0xd: {  	[smem:$0x3FA2] =	sst s5  }
0xe: {  	[smem:$0x3FA3] =	sst s6  }
0xf: {  	[smem:$0x3FA4] =	sst s7  }
0x10: {  	[smem:$0x3FA5] =	sst s8  }
0x11: {  	[smem:$0x3FA6] =	sst s9;
	s0 =	simm.s32 @!p0 $0x0  }
0x12: {  	s1 =	sld [smem:$0x3F8C];
	s0 =	simm.s32 @p0 $0x1  }
0x13: {  	[smem:$0x3FA7] =	sst s0;
	s0 =	simm.s32 @!p1 $0x0  }
0x14: {  	s2 =	sld [smem:$0x3F8B];
	s0 =	simm.s32 @p1 $0x1  }
0x15: {  	[smem:$0x3FA8] =	sst s0;
	s0 =	simm.s32 @!p2 $0x0  }
0x16: {  	s3 =	sld [smem:$0x3FDB];
	s0 =	simm.s32 @p2 $0x1  }
0x17: {  	s4 =	simm.s32 $0x1BF5;
	[smem:$0x3FAA] =	sst s0  }
0x18: {  	s0 =	sld [smem:$0x3F8D];
	_ =	swait.ge [sflag:s4], $0x0  }
0x19: {  	s7 =	sld [smem:$0x3F8E]  }
0x1a: {  	s8 =	sadd.s32 $0xFFFFE003, lr  }
0x1b: {  	s9 =	sadd.s32 $0xFFFFFEF7, lr;
	s5 =	simm.s32 $0xFFFFFFFF;
	p2 =	slt.u32 s8, $0xFFFFF086  }
0x1c: {  	p1 =	slt.u32 s9, $0xF7A;
	s5 =	simm.s32 @!p2 $0x0  }
0x1d: {  	s5 =	simm.s32 @p1 $0x1;
	p0 =	seq.s32 s7, s2  }
0x1e: {  	s7 =	smul.u32 @!p0 $0xF7A, s2;
	p2 =	seq.s32 @!p0 s5, $0x0  }
0x1f: {  	s9 =	smul.u32 $0xF7A, s1;
	s8 =	simm.s32 @!p0 $0x1BF5;
	p2 =	por !p2, p0  }
0x20: {  	[sflag:s8] =	ssyncset.s32 @!p0 $0xFFFFF086;
	s6 =	sadd.s32 @!p0 s3, s7;
	s7 =	simm.s32 @!p0 $0x108  }
0x21: {  	s3 =	sadd.s32 s3, s9;
	s6 =	sadd.s32 @!p0 $0x88, s6;
	s7 =	simm.s32 @p2 $0x1082  }
0x22: {  	[simem:s7], [sflag:s8] =	dma.local @!p0 [hbm:s6], $0xF7A  }
0x23: {  	s9 =	sor.u32 $0xD0000000, s2;
	s6 =	simm.s32 $0x108;
	_ =	swait.ge @!p0 [sflag:s8], $0x0  }
0x24: {  	s3 =	sadd.s32 $0x88, s3;
	s6 =	simm.s32 @!p1 $0x1082;
	[sflag:s4] =	ssyncset.s32 $0xFFFFF086  }
0x25: {  	[simem:s6], [sflag:s4] =	dma.local [hbm:s3], $0xF7A  }
0x26: {  	[smem:$0x3F8E] =	sst s1;
	(tag) =	ssettag s2;
	_ =	strace s9  }
0x27: {  	s1 =	sld [smem:$0x3F9E]  }
0x28: {  	s2 =	sld [smem:$0x3F9F]  }
0x29: {  	s4 =	sld [smem:$0x3FA1]  }
0x2a: {  	p0 =	seq.s32 s5, $0x0;
	s5 =	sld [smem:$0x3FA2]  }
0x2b: {  	s6 =	sld [smem:$0x3FA3]  }
0x2c: {  	s7 =	sld [smem:$0x3FA4]  }
0x2d: {  	s3 =	simm.s32 $0x108;
	s8 =	sld [smem:$0x3FA5]  }
0x2e: {  	s3 =	simm.s32 @!p0 $0x1082;
	s9 =	sld [smem:$0x3FA6]  }
0x2f: {  	lr =	sadd.s32 s0, s3;
	s0 =	sld [smem:$0x3F9D]  }
0x30: {  	s3 =	sld [smem:$0x3FA0]  }
0x31: {  	[smem:$0x3FA9] =	sst s10  }
0x32: {  	s10 =	sld [smem:$0x3FA7];
	_ =	sdelay $0x3  }
0x33: {  	p0 =	seq.s32 s10, $0x1;
	s10 =	sld [smem:$0x3FA9];
	_ =	sdelay $0x3  }
0x34: {  	[smem:$0x3FA9] =	sst s10  }
0x35: {  	s10 =	sld [smem:$0x3FA8];
	_ =	sdelay $0x3  }
0x36: {  	p1 =	seq.s32 s10, $0x1;
	s10 =	sld [smem:$0x3FA9];
	_ =	sdelay $0x3  }
0x37: {  	[smem:$0x3FA9] =	sst s10  }
0x38: {  	s10 =	sld [smem:$0x3FAA]  }
0x39: {  	_ = 	snop;
	(pc) =	sbr.ind lr, $3  }
0x3a: {  	_ = 	snop  }
0x3b: {  	_ = 	snop  }
0x3c: {  	p2 =	seq.s32 s10, $0x1;
	s10 =	sld [smem:$0x3FA9]  }
0x3d: {  	_ =	shalt  }
0x3e: {  	_ =	shalt  }
0x3f: {  	_ =	shalt  }
0x40: {  	_ =	shalt  }
0x41: {  	_ =	shalt  }
0x42: {  	_ =	shalt  }
0x43: {  	_ =	shalt  }
0x44: {  	_ =	shalt  }
0x45: {  	_ =	shalt  }
0x46: {  	_ =	shalt  }
0x47: {  	_ =	shalt  }
0x48: {  	_ =	shalt  }
0x49: {  	_ =	shalt  }
0x4a: {  	_ =	shalt  }
0x4b: {  	_ =	shalt  }
0x4c: {  	_ =	shalt  }
0x4d: {  	_ =	shalt  }
0x4e: {  	_ =	shalt  }
0x4f: {  	_ =	shalt  }
0x50: {  	_ =	shalt  }
0x51: {  	_ =	shalt  }
0x52: {  	_ =	shalt  }
0x53: {  	_ =	shalt  }
0x54: {  	_ =	shalt  }
0x55: {  	_ =	shalt  }
0x56: {  	_ =	shalt  }
0x57: {  	_ =	shalt  }
0x58: {  	_ =	shalt  }
0x59: {  	_ =	shalt  }
0x5a: {  	_ =	shalt  }
0x5b: {  	_ =	shalt  }
0x5c: {  	_ =	shalt  }
0x5d: {  	_ =	shalt  }
0x5e: {  	_ =	shalt  }
0x5f: {  	_ =	shalt  }
0x60: {  	_ =	shalt  }
0x61: {  	_ =	shalt  }
0x62: {  	_ =	shalt  }
0x63: {  	_ =	shalt  }
0x64: {  	_ =	shalt  }
0x65: {  	_ =	shalt  }
0x66: {  	_ =	shalt  }
0x67: {  	_ =	shalt  }
0x68: {  	_ =	shalt  }
0x69: {  	_ =	shalt  }
0x6a: {  	_ =	shalt  }
0x6b: {  	_ =	shalt  }
0x6c: {  	_ =	shalt  }
0x6d: {  	_ =	shalt  }
0x6e: {  	_ =	shalt  }
0x6f: {  	_ =	shalt  }
0x70: {  	_ =	shalt  }
0x71: {  	_ =	shalt  }
0x72: {  	_ =	shalt  }
0x73: {  	_ =	shalt  }
0x74: {  	_ =	shalt  }
0x75: {  	_ =	shalt  }
0x76: {  	_ =	shalt  }
0x77: {  	_ =	shalt  }
0x78: {  	_ =	shalt  }
0x79: {  	_ =	shalt  }
0x7a: {  	_ =	shalt  }
0x7b: {  	_ =	shalt  }
0x7c: {  	_ =	shalt  }
0x7d: {  	_ =	shalt  }
0x7e: {  	_ =	shalt  }
0x7f: {  	_ =	shalt  }
0x80: {  	_ =	shalt  }
0x81: {  	_ =	shalt  }
0x82: {  	_ =	shalt  }
0x83: {  	_ =	shalt  }
0x84: {  	_ =	shalt  }
0x85: {  	_ =	shalt  }
0x86: {  	_ =	shalt  }
0x87: {  	_ =	shalt  }
.Lfunc_end0:
.L_simem_size_0:
called_computation.1_lowered:
.L_overlay_start_0:
0x88: {  	s2 =	sld [smem:$0x3FD9]  }
0x89: {  	s3 =	sld [smem:$0x3FFE];
	_ =	sdelay $0x1  }
0x8a: {  	s1 =	srdreg.scid  }
0x8b: {  	s0 =	sand.u32 $0x1, s1  }
0x8c: {  	s17 =	sshll.u32 s0, $0xA;
	s2 =	sadd.s32 s3, s2  }
0x8d: {  	s2 =	sadd.s32 s2, s17  }
0x8e: {  	[smem:$0x3FB5] =	sst s2  }
0x8f: {  	_ = 	snop  }
0x90: {  	s18 =	sld [smem:$0x3FD0];
	(tm) =	ssettm $0x1  }
0x91: {  	s19 =	sld [smem:$0x3FFB];
	_ =	sdelay $0x3  }
0x92: {  	_ =	strace s19  }
0x93: {  	s2 =	sld [smem:$0x3FFC];
	_ =	sdelay $0x3  }
0x94: {  	_ =	strace s2  }
0x95: {  	s2 =	sld [smem:$0x3FFD];
	_ =	sdelay $0x3  }
0x96: {  	_ =	strace s2  }
0x97: {  	_ =	strace $0x8FFFFFFF  }
0x98: {  	s20 =	sld [smem:$0x3FDB];
	_ =	sdelay $0x1  }
0x99: {  	s4 =	simm.s32 $_scs_section_size  }
0x9a: {  	s5 =	simm.s32 $_size__tile_overlayer_lowered;
	s6 =	simm.s32 $_tile_overlayer_lowered  }
0x9b: {  	s7 =	simm.s32 $0x1BFF;
	s21 =	sshll.u32 s6, $0x1;
	s4 =	sadd.s32 s4, s20  }
0x9c: {  	s22 =	simm.s32 $0x0;
	s5 =	sshll.u32 s5, $0x1;
	s6 =	sadd.s32 s21, s4  }
0x9d: {  	[timem:s22], [sflag:s7] =	dma.local [hbm:s6], s5  }
0x9e: {  	_ =	swait.ge [sflag:s7], s5  }
0x9f: {  	s5 =	ssub.s32 $0x0, s5;
	[sflag:s7] =	ssyncset.done $0x0  }
0xa0: {  	[sflag:s7] =	ssyncadd.s32 s5;
	_ =	sdelay $0x1  }
0xa1: {  	s23 =	simm.s32 $0x1B8B  }
0xa2: {  	_ =	swait.ge [sflag:s23], $0x1  }
0xa3: {  	[sflag:s23] =	ssyncset.done $0x0  }
0xa4: {  	[sflag:s23] =	ssyncadd.s32 $0xFFFFFFFF  }
0xa5: {  	s5 =	sld [smem:$0x0]  }
0xa6: {  	s6 =	sand.u32 $0xFFFFFFFE, s1  }
0xa7: {  	p0 =	sne.s32 s1, s6  }
0xa8: {  	s6 =	sshll.u32 @p0 s6, $0xE  }
0xa9: {  	s6 =	sadd.s32 @p0 $0x11B8D, s6;
	s7 =	sshll.u32 @p0 s5, $0x11  }
0xaa: {  	s6 =	sor.u32 @p0 s7, s6  }
0xab: {  	[sflag:s6] =	ssyncadd.remote.s32 @p0 $0x1;
	_ =	sdelay $0x1  }
0xac: {  	s6 =	simm.s32 @p0 $0x1B8D  }
0xad: {  	_ =	swait.eq @p0 [sflag:s6], $0x1  }
0xae: {  	[sflag:s6] =	ssyncadd.s32 @p0 $0xFFFFFFFF  }
0xaf: {  	s7 =	sshll.u32 @!p0 s1, $0xE  }
0xb0: {  	s7 =	sor.u32 @!p0 $0x4000, s7;
	s6 =	simm.s32 @!p0 $0x1B8D  }
0xb1: {  	s5 =	sshll.u32 @!p0 s5, $0x11;
	s7 =	sadd.s32 @!p0 $0x11B8D, s7;
	_ =	swait.eq @!p0 [sflag:s6], $0x1  }
0xb2: {  	s5 =	sor.u32 @!p0 s5, s7;
	[sflag:s6] =	ssyncadd.s32 @!p0 $0xFFFFFFFF  }
0xb3: {  	s25 =	simm.s32 $0x1B8E;
	s24 =	sld [smem:$0x3FFE];
	[sflag:s5] =	ssyncadd.remote.s32 @!p0 $0x1  }
0xb4: {  	s26 =	simm.s32 $execute0_lowered;
	[smem:$0x3FD2] =	sst s25  }
0xb5: {  	s6 =	sshll.u32 s26, $0x1;
	_ =	strace $0x80000049;
	[dreg:$0x1] =	wrdreg $0xFFFFFFFF  }
0xb6: {  	s28 =	simm.s32 $_size_execute0_lowered;
	s4 =	sadd.s32 s4, s6;
	[dreg:$0x0] =	wrdreg $0x0  }
0xb7: {  	s6 =	sshll.u32 s28, $0x1;
	[dreg:$0x2] =	wrdreg s4  }
0xb8: {  	[dreg:$0x3] =	wrdreg s6  }
0xb9: {  	[dreg:$0x4] =	wrdreg $0xC0  }
0xba: {  	_ =	task [dreg:s22], $0x5FFFF  }
0xbb: {  	[dreg:$0x1] =	wrdreg $0xFFFFFFFF  }
0xbc: {  	[dreg:$0x0] =	wrdreg $0x60  }
0xbd: {  	[dreg:$0x2] =	wrdreg s24  }
0xbe: {  	[dreg:$0x3] =	wrdreg s18  }
0xbf: {  	[dreg:$0x4] =	wrdreg $0xA  }
0xc0: {  	_ =	task.clear_ibuf [dreg:s22], $0x5FFFF;
	_ =	strace $0x90000049  }
0xc1: {  	s29 =	simm.s32 $0xA;
	_ =	strace $0x8000004B  }
0xc2: {  	_ =	swait.ge [sflag:s29], $0x1  }
0xc3: {  	[sflag:s29] =	ssyncadd.s32 $0xFFFFFFFF  }
0xc4: {  	_ =	strace $0x9000004B  }
0xc5: {  	_ =	sfence  }
0xc6: {  	s30 =	sld [smem:$0x0];
	_ =	sdelay $0x2  }
0xc7: {  	s31 =	sshll.u32 s1, $0xD;
	s1 =	sshrl.u32 s1, $0x2  }
0xc8: {  	s4 =	sand.u32 $0x4000, s31;
	s1 =	sadd.s32 s1, s30  }
0xc9: {  	s0 =	sor.u32 s4, s0;
	s1 =	sshll.u32 s1, $0x11  }
0xca: {  	s0 =	sor.u32 s1, s0  }
0xcb: {  	s0 =	sadd.s32 $0x8F2B, s0  }
0xcc: {  	[sflag:s0] =	ssyncadd.remote.s32 $0x1  }
0xcd: {  	_ =	sfence.sel $0xFFFF  }
0xce: {  	[dreg:$0x0] =	wrdreg $0xFFFFFFFF;
	(pc) =	sbr.abs _section_cstart, $3  }
0xcf: {  	[dreg:$0x1] =	wrdreg $0xFFFFFFFF  }
0xd0: {  	_ =	task.clear_ibuf [dreg:s22], $0x2FFFF;
	_ =	strace $0x9FFFFFFF  }
0xd1: {  	(tm) =	ssettm $0x7FFFFFFF  }
tec
execute0_lowered:
.L_overlay_start_1:
0x0: {  	(tag) =	ssettag $0x1  }
0x1: {  	s0 =	rddreg [dreg:$0x0]  }
0x2: {  	s1 =	srdreg.scid;
	s2 =	stileid.u32  }
0x3: {  	s5 =	rddreg [dreg:$0x1];
	s7 =	simm.s32 $0x2;
	s8 =	simm.s32 $0x80  }
0x4: {  	s18 =	simm.s32 $0x1580;
	s19 =	simm.s32 $0x900;
	s20 =	simm.s32 $0x1600  }
0x5: {  	s21 =	simm.s32 $0x980;
	s22 =	simm.s32 $0x1680;
	s23 =	simm.s32 $0xA00  }
0x6: {  	s24 =	simm.s32 $0x1700;
	s28 =	simm.s32 $0xB00;
	s29 =	simm.s32 $0x1800  }
0x7: {  	s30 =	simm.s32 $0xB80;
	s31 =	simm.s32 $0x1880;
	s9 =	simm.s32 $0xC80  }
0x8: {  	s10 =	simm.s32 $0x1980;
	s11 =	simm.s32 $0x1;
	s12 =	simm.s32 $0x1A00  }
0x9: {  	s1 =	sand.u32 $0x1, s1;
	s3 =	sshll.u32 s2, $0x1;
	s2 =	simm.s32 $0x0  }
0xa: {  	s13 =	simm.s32 $0x0;
	s6 =	sor.u32 s1, s3;
	[smem:$0x7FF] =	sst s2  }
0xb: {  	s1 =	ssub.s32 $0x2, s1;
	s3 =	sadd.s32 $0x3D400, s0;
	s4 =	smul.u32 $0x1A0, s6  }
0xc: {  	_ =	strace $0x8000004A;
	s25 =	sshrl.u32 s1, $0x1;
	s26 =	sshll.u32 s6, $0x4  }
0xd: {  	s1 =	ssub.s32 s1, s25;
	s5 =	sadd.s32 s5, s26;
	s25 =	simm.s32 $0xA80  }
0xe: {  	s26 =	simm.s32 $0x1780;
	s0 =	sadd.s32 s4, s0;
	s6 =	smax.u32 s1, $0x1  }
0xf: {  	s1 =	simm.s32 $0xC00;
	s4 =	sadd.s32 $0x3A000, s0;
	s0 =	simm.s32 $0x1900  }
.LBB2_1:
0x10: {  	[tilespmem:s2], [sflag:$0x2] =	stream.linear.gather [hbm4b:s4+s2], $0xD00, $0x38;
	[tilespmem:$0x1A80] =	vst v63  }
0x11: {  	_ =	swait.ge [sflag:s7], $0xD00  }
0x12: {  	[sflag:s7] =	ssyncset.done $0x0  }
0x13: {  	s14 =	simm.s32 $0xD00;
	[sflag:s7] =	ssyncadd.s32 $0xFFFFF300  }
0x14: {  	[tilespmem:s14], [sflag:$0x1] =	stream.indirect.gather [hbm4b:s3+s8], $0x1, s2, s8, $0xb8;
	[tilespmem:$0x1A80] =	vst v63  }
0x15: {  	s16 =	simm.s32 $0xD80  }
0x16: {  	[tilespmem:s16], [sflag:$0x1] =	stream.indirect.gather [hbm4b:s3+s8], $0x1, s8, s8, $0xb8;
	[tilespmem:$0x1A80] =	vst v63  }
0x17: {  	s17 =	simm.s32 $0x100;
	s15 =	simm.s32 $0xE00  }
0x18: {  	[tilespmem:s15], [sflag:$0x1] =	stream.indirect.gather [hbm4b:s3+s8], $0x1, s17, s8, $0xb8;
	[tilespmem:$0x1A80] =	vst v63  }
0x19: {  	s16 =	simm.s32 $0x180;
	s17 =	simm.s32 $0xE80  }
0x1a: {  	[tilespmem:s17], [sflag:$0x1] =	stream.indirect.gather [hbm4b:s3+s8], $0x1, s16, s8, $0xb8;
	[tilespmem:$0x1A80] =	vst v63  }
0x1b: {  	s16 =	simm.s32 $0x200;
	s17 =	simm.s32 $0xF00  }
0x1c: {  	[tilespmem:s17], [sflag:$0x1] =	stream.indirect.gather [hbm4b:s3+s8], $0x1, s16, s8, $0xb8;
	[tilespmem:$0x1A80] =	vst v63  }
0x1d: {  	s16 =	simm.s32 $0x280;
	s17 =	simm.s32 $0xF80  }
0x1e: {  	[tilespmem:s17], [sflag:$0x1] =	stream.indirect.gather [hbm4b:s3+s8], $0x1, s16, s8, $0xb8;
	[tilespmem:$0x1A80] =	vst v63  }
0x1f: {  	s16 =	simm.s32 $0x300;
	s17 =	simm.s32 $0x1000  }
0x20: {  	[tilespmem:s17], [sflag:$0x1] =	stream.indirect.gather [hbm4b:s3+s8], $0x1, s16, s8, $0xb8;
	[tilespmem:$0x1A80] =	vst v63  }
0x21: {  	s16 =	simm.s32 $0x380;
	s17 =	simm.s32 $0x1080  }
0x22: {  	[tilespmem:s17], [sflag:$0x1] =	stream.indirect.gather [hbm4b:s3+s8], $0x1, s16, s8, $0xb8;
	[tilespmem:$0x1A80] =	vst v63  }
0x23: {  	s16 =	simm.s32 $0x400;
	s17 =	simm.s32 $0x1100  }
0x24: {  	[tilespmem:s17], [sflag:$0x1] =	stream.indirect.gather [hbm4b:s3+s8], $0x1, s16, s8, $0xb8;
	[tilespmem:$0x1A80] =	vst v63  }
0x25: {  	s16 =	simm.s32 $0x480;
	s17 =	simm.s32 $0x1180  }
0x26: {  	[tilespmem:s17], [sflag:$0x1] =	stream.indirect.gather [hbm4b:s3+s8], $0x1, s16, s8, $0xb8;
	[tilespmem:$0x1A80] =	vst v63  }
0x27: {  	s16 =	simm.s32 $0x500;
	s17 =	simm.s32 $0x1200  }
0x28: {  	[tilespmem:s17], [sflag:$0x1] =	stream.indirect.gather [hbm4b:s3+s8], $0x1, s16, s8, $0xb8;
	[tilespmem:$0x1A80] =	vst v63  }
0x29: {  	s16 =	simm.s32 $0x580;
	s17 =	simm.s32 $0x1280  }
0x2a: {  	[tilespmem:s17], [sflag:$0x1] =	stream.indirect.gather [hbm4b:s3+s8], $0x1, s16, s8, $0xb8;
	[tilespmem:$0x1A80] =	vst v63  }
0x2b: {  	s16 =	simm.s32 $0x600;
	s17 =	simm.s32 $0x1300  }
0x2c: {  	[tilespmem:s17], [sflag:$0x1] =	stream.indirect.gather [hbm4b:s3+s8], $0x1, s16, s8, $0xb8;
	[tilespmem:$0x1A80] =	vst v63  }
0x2d: {  	s16 =	simm.s32 $0x680;
	s17 =	simm.s32 $0x1380  }
0x2e: {  	[tilespmem:s17], [sflag:$0x1] =	stream.indirect.gather [hbm4b:s3+s8], $0x1, s16, s8, $0xb8;
	[tilespmem:$0x1A80] =	vst v63  }
0x2f: {  	s16 =	simm.s32 $0x700;
	s17 =	simm.s32 $0x1400  }
0x30: {  	[tilespmem:s17], [sflag:$0x1] =	stream.indirect.gather [hbm4b:s3+s8], $0x1, s16, s8, $0xb8;
	[tilespmem:$0x1A80] =	vst v63  }
0x31: {  	s16 =	simm.s32 $0x780;
	s17 =	simm.s32 $0x1480  }
0x32: {  	[tilespmem:s17], [sflag:$0x1] =	stream.indirect.gather [hbm4b:s3+s8], $0x1, s16, s8, $0xb8;
	[tilespmem:$0x1A80] =	vst v63  }
0x33: {  	s15 =	simm.s32 $0x800;
	s16 =	simm.s32 $0x1500  }
0x34: {  	[tilespmem:s16], [sflag:$0x1] =	stream.indirect.gather [hbm4b:s3+s8], $0x1, s15, s8, $0xb8;
	[tilespmem:$0x1A80] =	vst v63  }
0x35: {  	s17 =	simm.s32 $0x880  }
0x36: {  	[tilespmem:s18], [sflag:$0x1] =	stream.indirect.gather [hbm4b:s3+s8], $0x1, s17, s8, $0xb8;
	[tilespmem:$0x1A80] =	vst v63  }
0x37: {  	_ = 	snop  }
0x38: {  	[tilespmem:s20], [sflag:$0x1] =	stream.indirect.gather [hbm4b:s3+s8], $0x1, s19, s8, $0xb8;
	[tilespmem:$0x1A80] =	vst v63  }
0x39: {  	_ = 	snop  }
0x3a: {  	[tilespmem:s22], [sflag:$0x1] =	stream.indirect.gather [hbm4b:s3+s8], $0x1, s21, s8, $0xb8;
	[tilespmem:$0x1A80] =	vst v63  }
0x3b: {  	_ = 	snop  }
0x3c: {  	[tilespmem:s24], [sflag:$0x1] =	stream.indirect.gather [hbm4b:s3+s8], $0x1, s23, s8, $0xb8;
	[tilespmem:$0x1A80] =	vst v63  }
0x3d: {  	_ = 	snop  }
0x3e: {  	[tilespmem:s26], [sflag:$0x1] =	stream.indirect.gather [hbm4b:s3+s8], $0x1, s25, s8, $0xb8;
	[tilespmem:$0x1A80] =	vst v63  }
0x3f: {  	_ = 	snop  }
0x40: {  	[tilespmem:s29], [sflag:$0x1] =	stream.indirect.gather [hbm4b:s3+s8], $0x1, s28, s8, $0xb8;
	[tilespmem:$0x1A80] =	vst v63  }
0x41: {  	_ = 	snop  }
0x42: {  	[tilespmem:s31], [sflag:$0x1] =	stream.indirect.gather [hbm4b:s3+s8], $0x1, s30, s8, $0xb8;
	[tilespmem:$0x1A80] =	vst v63  }
0x43: {  	_ = 	snop  }
0x44: {  	[tilespmem:s0], [sflag:$0x1] =	stream.indirect.gather [hbm4b:s3+s8], $0x1, s1, s8, $0xb8;
	[tilespmem:$0x1A80] =	vst v63  }
0x45: {  	_ = 	snop  }
0x46: {  	[tilespmem:s10], [sflag:$0x1] =	stream.indirect.gather [hbm4b:s3+s8], $0x1, s9, s8, $0xb8;
	[tilespmem:$0x1A80] =	vst v63  }
0x47: {  	_ =	swait.ge [sflag:s11], $0x80  }
0x48: {  	[sflag:s11] =	ssyncset.done $0x0  }
0x49: {  	[sflag:s11] =	ssyncadd.s32 $0xFFFFFF80  }
0x4a: {  	_ =	swait.ge [sflag:s11], $0x80  }
0x4b: {  	[sflag:s11] =	ssyncset.done $0x0  }
0x4c: {  	[sflag:s11] =	ssyncadd.s32 $0xFFFFFF80  }
0x4d: {  	_ =	swait.ge [sflag:s11], $0x80  }
0x4e: {  	[sflag:s11] =	ssyncset.done $0x0  }
0x4f: {  	[sflag:s11] =	ssyncadd.s32 $0xFFFFFF80  }
0x50: {  	_ =	swait.ge [sflag:s11], $0x80  }
0x51: {  	[sflag:s11] =	ssyncset.done $0x0  }
0x52: {  	[sflag:s11] =	ssyncadd.s32 $0xFFFFFF80  }
0x53: {  	_ =	swait.ge [sflag:s11], $0x80  }
0x54: {  	[sflag:s11] =	ssyncset.done $0x0  }
0x55: {  	[sflag:s11] =	ssyncadd.s32 $0xFFFFFF80  }
0x56: {  	_ =	swait.ge [sflag:s11], $0x80  }
0x57: {  	[sflag:s11] =	ssyncset.done $0x0  }
0x58: {  	[sflag:s11] =	ssyncadd.s32 $0xFFFFFF80  }
0x59: {  	_ =	swait.ge [sflag:s11], $0x80  }
0x5a: {  	[sflag:s11] =	ssyncset.done $0x0  }
0x5b: {  	[sflag:s11] =	ssyncadd.s32 $0xFFFFFF80  }
0x5c: {  	_ =	swait.ge [sflag:s11], $0x80  }
0x5d: {  	[sflag:s11] =	ssyncset.done $0x0  }
0x5e: {  	[sflag:s11] =	ssyncadd.s32 $0xFFFFFF80  }
0x5f: {  	_ =	swait.ge [sflag:s11], $0x80  }
0x60: {  	[sflag:s11] =	ssyncset.done $0x0  }
0x61: {  	[sflag:s11] =	ssyncadd.s32 $0xFFFFFF80  }
0x62: {  	_ =	swait.ge [sflag:s11], $0x80  }
0x63: {  	[sflag:s11] =	ssyncset.done $0x0  }
0x64: {  	[sflag:s11] =	ssyncadd.s32 $0xFFFFFF80  }
0x65: {  	_ =	swait.ge [sflag:s11], $0x80  }
0x66: {  	[sflag:s11] =	ssyncset.done $0x0  }
0x67: {  	[sflag:s11] =	ssyncadd.s32 $0xFFFFFF80  }
0x68: {  	_ =	swait.ge [sflag:s11], $0x80  }
0x69: {  	[sflag:s11] =	ssyncset.done $0x0  }
0x6a: {  	[sflag:s11] =	ssyncadd.s32 $0xFFFFFF80  }
0x6b: {  	_ =	swait.ge [sflag:s11], $0x80  }
0x6c: {  	[sflag:s11] =	ssyncset.done $0x0  }
0x6d: {  	[sflag:s11] =	ssyncadd.s32 $0xFFFFFF80  }
0x6e: {  	_ =	swait.ge [sflag:s11], $0x80  }
0x6f: {  	[sflag:s11] =	ssyncset.done $0x0  }
0x70: {  	[sflag:s11] =	ssyncadd.s32 $0xFFFFFF80  }
0x71: {  	_ =	swait.ge [sflag:s11], $0x80  }
0x72: {  	[sflag:s11] =	ssyncset.done $0x0  }
0x73: {  	[sflag:s11] =	ssyncadd.s32 $0xFFFFFF80  }
0x74: {  	_ =	swait.ge [sflag:s11], $0x80  }
0x75: {  	[sflag:s11] =	ssyncset.done $0x0  }
0x76: {  	[sflag:s11] =	ssyncadd.s32 $0xFFFFFF80  }
0x77: {  	_ =	swait.ge [sflag:s11], $0x80  }
0x78: {  	[sflag:s11] =	ssyncset.done $0x0  }
0x79: {  	[sflag:s11] =	ssyncadd.s32 $0xFFFFFF80  }
0x7a: {  	_ =	swait.ge [sflag:s11], $0x80  }
0x7b: {  	[sflag:s11] =	ssyncset.done $0x0  }
0x7c: {  	[sflag:s11] =	ssyncadd.s32 $0xFFFFFF80  }
0x7d: {  	_ =	swait.ge [sflag:s11], $0x80  }
0x7e: {  	[sflag:s11] =	ssyncset.done $0x0  }
0x7f: {  	[sflag:s11] =	ssyncadd.s32 $0xFFFFFF80  }
0x80: {  	_ =	swait.ge [sflag:s11], $0x80  }
0x81: {  	[sflag:s11] =	ssyncset.done $0x0  }
0x82: {  	[sflag:s11] =	ssyncadd.s32 $0xFFFFFF80  }
0x83: {  	_ =	swait.ge [sflag:s11], $0x80  }
0x84: {  	[sflag:s11] =	ssyncset.done $0x0  }
0x85: {  	[sflag:s11] =	ssyncadd.s32 $0xFFFFFF80  }
0x86: {  	_ =	swait.ge [sflag:s11], $0x80  }
0x87: {  	[sflag:s11] =	ssyncset.done $0x0  }
0x88: {  	[sflag:s11] =	ssyncadd.s32 $0xFFFFFF80  }
0x89: {  	_ =	swait.ge [sflag:s11], $0x80  }
0x8a: {  	[sflag:s11] =	ssyncset.done $0x0  }
0x8b: {  	[sflag:s11] =	ssyncadd.s32 $0xFFFFFF80  }
0x8c: {  	_ =	swait.ge [sflag:s11], $0x80  }
0x8d: {  	[sflag:s11] =	ssyncset.done $0x0  }
0x8e: {  	[sflag:s11] =	ssyncadd.s32 $0xFFFFFF80  }
0x8f: {  	_ =	swait.ge [sflag:s11], $0x80  }
0x90: {  	[sflag:s11] =	ssyncset.done $0x0  }
0x91: {  	[sflag:s11] =	ssyncadd.s32 $0xFFFFFF80  }
0x92: {  	_ =	swait.ge [sflag:s11], $0x80  }
0x93: {  	[sflag:s11] =	ssyncset.done $0x0  }
0x94: {  	s15 =	simm.s32 $0x0;
	[sflag:s11] =	ssyncadd.s32 $0xFFFFFF80  }
0x95: {  	v0 =	vld [tilespmem:s15+$0xD00];
	_ =	sdelay $0x1  }
0x96: {  	v1 =	vld [tilespmem:s15+$0xD80];
	_ =	sdelay $0x1  }
0x97: {  	v2 =	vld [tilespmem:s15+$0xE00]  }
0x98: {  	v0 =	vadd.f32 $0.0e+00, v0  }
0x99: {  	v3 =	vld [tilespmem:s15+$0xE80]  }
0x9a: {  	v0 =	vadd.f32 v1, v0  }
0x9b: {  	v1 =	vld [tilespmem:s15+$0xF00]  }
0x9c: {  	v0 =	vadd.f32 v2, v0  }
0x9d: {  	v2 =	vld [tilespmem:s15+$0xF80]  }
0x9e: {  	v0 =	vadd.f32 v3, v0  }
0x9f: {  	v3 =	vld [tilespmem:s15+$0x1000]  }
0xa0: {  	v0 =	vadd.f32 v1, v0  }
0xa1: {  	v1 =	vld [tilespmem:s15+$0x1080]  }
0xa2: {  	v0 =	vadd.f32 v2, v0  }
0xa3: {  	v2 =	vld [tilespmem:s15+$0x1100]  }
0xa4: {  	v0 =	vadd.f32 v3, v0  }
0xa5: {  	v3 =	vld [tilespmem:s15+$0x1180]  }
0xa6: {  	v0 =	vadd.f32 v1, v0  }
0xa7: {  	v1 =	vld [tilespmem:s15+$0x1200]  }
0xa8: {  	v0 =	vadd.f32 v2, v0  }
0xa9: {  	v2 =	vld [tilespmem:s15+$0x1280]  }
0xaa: {  	v0 =	vadd.f32 v3, v0  }
0xab: {  	s14 =	simm.s32 $0x10;
	v3 =	vld [tilespmem:s15+$0x1300]  }
0xac: {  	v4 =	vld [tilespmem:s14+$0xD00];
	v0 =	vadd.f32 v1, v0  }
0xad: {  	v1 =	vld [tilespmem:s15+$0x1380]  }
0xae: {  	v5 =	vld [tilespmem:s14+$0xD80];
	v0 =	vadd.f32 v2, v0  }
0xaf: {  	v2 =	vld [tilespmem:s15+$0x1400]  }
0xb0: {  	v6 =	vld [tilespmem:s14+$0xE00];
	v0 =	vadd.f32 v3, v0  }
0xb1: {  	v3 =	vld [tilespmem:s15+$0x1480]  }
0xb2: {  	v7 =	vld [tilespmem:s14+$0xE80];
	v4 =	vadd.f32 $0.0e+00, v4;
	v0 =	vadd.f32 v1, v0  }
0xb3: {  	v1 =	vld [tilespmem:s15+$0x1500]  }
0xb4: {  	v4 =	vadd.f32 v5, v4;
	v5 =	vld [tilespmem:s14+$0xF00];
	v0 =	vadd.f32 v2, v0  }
0xb5: {  	v2 =	vld [tilespmem:s15+$0x1580]  }
0xb6: {  	v4 =	vadd.f32 v6, v4;
	v6 =	vld [tilespmem:s14+$0xF80];
	v0 =	vadd.f32 v3, v0  }
0xb7: {  	v3 =	vld [tilespmem:s15+$0x1600]  }
0xb8: {  	v4 =	vadd.f32 v7, v4;
	v7 =	vld [tilespmem:s14+$0x1000];
	v0 =	vadd.f32 v1, v0  }
0xb9: {  	v1 =	vld [tilespmem:s15+$0x1680]  }
0xba: {  	v4 =	vadd.f32 v5, v4;
	v5 =	vld [tilespmem:s14+$0x1080];
	v0 =	vadd.f32 v2, v0  }
0xbb: {  	v2 =	vld [tilespmem:s15+$0x1700]  }
0xbc: {  	v4 =	vadd.f32 v6, v4;
	v6 =	vld [tilespmem:s14+$0x1100];
	v0 =	vadd.f32 v3, v0  }
0xbd: {  	v3 =	vld [tilespmem:s15+$0x1780]  }
0xbe: {  	v4 =	vadd.f32 v7, v4;
	v7 =	vld [tilespmem:s14+$0x1180];
	v0 =	vadd.f32 v1, v0  }
0xbf: {  	v1 =	vld [tilespmem:s15+$0x1800]  }
0xc0: {  	v8 =	vld [tilespmem:s15+$0x1880];
	v4 =	vadd.f32 v5, v4;
	v0 =	vadd.f32 v2, v0  }
0xc1: {  	v2 =	vld [tilespmem:s14+$0x1200]  }
0xc2: {  	v4 =	vadd.f32 v6, v4;
	v5 =	vadd.f32 v3, v0;
	v0 =	vld [tilespmem:s15+$0x1900]  }
0xc3: {  	v3 =	vld [tilespmem:s14+$0x1280]  }
0xc4: {  	v6 =	vadd.f32 v7, v4;
	v4 =	vld [tilespmem:s14+$0x1300];
	v7 =	vadd.f32 v1, v5  }
0xc5: {  	v1 =	vld [tilespmem:s15+$0x1980]  }
0xc6: {  	s16 =	simm.s32 $0x20;
	s17 =	simm.s32 $0xC0;
	v5 =	vadd.f32 v2, v6;
	v2 =	vld [tilespmem:s14+$0x1380];
	v6 =	vadd.f32 v8, v7  }
.LBB2_2:
0xc7: {  	p0 =	sne.s32 s17, $0x1C0;
	v7 =	vld [tilespmem:s16+$0xD00]  }
0xc8: {  	v3 =	vadd.f32 v3, v5;
	v5 =	vld [tilespmem:s14+$0x1400];
	v0 =	vadd.f32 v0, v6  }
0xc9: {  	v6 =	vld [tilespmem:s16+$0xD80]  }
0xca: {  	v3 =	vadd.f32 v4, v3;
	v4 =	vld [tilespmem:s14+$0x1480];
	v0 =	vadd.f32 v1, v0  }
0xcb: {  	v1 =	vld [tilespmem:s16+$0xE00]  }
0xcc: {  	v7 =	vadd.f32 $0.0e+00, v7;
	v2 =	vadd.f32 v2, v3;
	v3 =	vld [tilespmem:s14+$0x1500];
	[tilespmem:s15+$0x1A00] =	vst v0;
	s15 =	smov.u32 s14;
	s14 =	smov.u32 s16  }
0xcd: {  	v0 =	vld [tilespmem:s14+$0xE80]  }
0xce: {  	v6 =	vadd.f32 v6, v7;
	v2 =	vadd.f32 v5, v2;
	v5 =	vld [tilespmem:s15+$0x1580]  }
0xcf: {  	v7 =	vld [tilespmem:s14+$0xF00]  }
0xd0: {  	v1 =	vadd.f32 v1, v6;
	v2 =	vadd.f32 v4, v2;
	v4 =	vld [tilespmem:s15+$0x1600]  }
0xd1: {  	v6 =	vld [tilespmem:s14+$0xF80]  }
0xd2: {  	v0 =	vadd.f32 v0, v1;
	v1 =	vadd.f32 v3, v2;
	v2 =	vld [tilespmem:s15+$0x1680]  }
0xd3: {  	v3 =	vld [tilespmem:s14+$0x1000]  }
0xd4: {  	v0 =	vadd.f32 v7, v0;
	v1 =	vadd.f32 v5, v1;
	v5 =	vld [tilespmem:s15+$0x1700]  }
0xd5: {  	v7 =	vld [tilespmem:s14+$0x1080]  }
0xd6: {  	v0 =	vadd.f32 v6, v0;
	v1 =	vadd.f32 v4, v1;
	v4 =	vld [tilespmem:s15+$0x1780]  }
0xd7: {  	v6 =	vld [tilespmem:s14+$0x1100]  }
0xd8: {  	v0 =	vadd.f32 v3, v0;
	v1 =	vadd.f32 v2, v1;
	v2 =	vld [tilespmem:s15+$0x1800]  }
0xd9: {  	v8 =	vld [tilespmem:s14+$0x1180]  }
0xda: {  	v0 =	vadd.f32 v7, v0;
	v1 =	vadd.f32 v5, v1;
	v7 =	vld [tilespmem:s15+$0x1880]  }
0xdb: {  	v5 =	vld [tilespmem:s14+$0x1200]  }
.Ltmp0:
0xdc: {  	v6 =	vadd.f32 v6, v0;
	v1 =	vadd.f32 v4, v1;
	v0 =	vld [tilespmem:s15+$0x1900];
	(pc) =	sbr.rel @p0 .LBB2_2-.Ltmp0, $4  }
0xdd: {  	v3 =	vld [tilespmem:s14+$0x1280]  }
0xde: {  	v6 =	vadd.f32 v8, v6;
	v8 =	vadd.f32 v2, v1;
	v1 =	vld [tilespmem:s15+$0x1980]  }
0xdf: {  	v4 =	vld [tilespmem:s14+$0x1300]  }
0xe0: {  	s16 =	sshra.s32 s17, $0x2;
	s17 =	sadd.s32 $0x40, s17;
	v5 =	vadd.f32 v5, v6;
	v2 =	vld [tilespmem:s14+$0x1380];
	v6 =	vadd.f32 v7, v8  }
0xe1: {  	v7 =	vld [tilespmem:s16+$0xD00]  }
0xe2: {  	v8 =	vld [tilespmem:s14+$0x1400];
	v0 =	vadd.f32 v0, v6  }
0xe3: {  	v29 =	vld [tilespmem:s16+$0xD80]  }
0xe4: {  	v9 =	vld [tilespmem:s14+$0x1480];
	v3 =	vadd.f32 v3, v5;
	v0 =	vadd.f32 v1, v0  }
0xe5: {  	v30 =	vld [tilespmem:s16+$0xE00]  }
0xe6: {  	v31 =	vld [tilespmem:s14+$0x1500];
	v3 =	vadd.f32 v4, v3;
	v32 =	vadd.f32 $0.0e+00, v7;
	[tilespmem:s15+$0x1A00] =	vst v0  }
0xe7: {  	v0 =	vld [tilespmem:s16+$0xE80]  }
0xe8: {  	v2 =	vadd.f32 v2, v3;
	v33 =	vadd.f32 v29, v32  }
0xe9: {  	v34 =	vld [tilespmem:s16+$0xF00]  }
0xea: {  	v35 =	vld [tilespmem:s14+$0x1580];
	v2 =	vadd.f32 v8, v2;
	v1 =	vadd.f32 v30, v33  }
0xeb: {  	v36 =	vld [tilespmem:s16+$0xF80]  }
0xec: {  	v37 =	vld [tilespmem:s14+$0x1600];
	v2 =	vadd.f32 v9, v2;
	v0 =	vadd.f32 v0, v1  }
0xed: {  	v38 =	vld [tilespmem:s16+$0x1000]  }
0xee: {  	v39 =	vld [tilespmem:s14+$0x1680];
	v2 =	vadd.f32 v31, v2;
	v0 =	vadd.f32 v34, v0  }
0xef: {  	v40 =	vld [tilespmem:s16+$0x1080]  }
0xf0: {  	v41 =	vld [tilespmem:s14+$0x1700];
	v2 =	vadd.f32 v35, v2;
	v0 =	vadd.f32 v36, v0  }
0xf1: {  	v42 =	vld [tilespmem:s16+$0x1100]  }
0xf2: {  	v43 =	vld [tilespmem:s14+$0x1780];
	v2 =	vadd.f32 v37, v2;
	v0 =	vadd.f32 v38, v0  }
0xf3: {  	v44 =	vld [tilespmem:s16+$0x1180]  }
0xf4: {  	v45 =	vld [tilespmem:s14+$0x1800];
	v2 =	vadd.f32 v39, v2;
	v0 =	vadd.f32 v40, v0  }
0xf5: {  	v46 =	vld [tilespmem:s16+$0x1200]  }
0xf6: {  	v47 =	vld [tilespmem:s14+$0x1880];
	v2 =	vadd.f32 v41, v2;
	v0 =	vadd.f32 v42, v0  }
0xf7: {  	v48 =	vld [tilespmem:s16+$0x1280]  }
0xf8: {  	v49 =	vld [tilespmem:s14+$0x1900];
	v2 =	vadd.f32 v43, v2;
	v0 =	vadd.f32 v44, v0  }
0xf9: {  	v50 =	vld [tilespmem:s16+$0x1300]  }
0xfa: {  	v51 =	vld [tilespmem:s14+$0x1980];
	v2 =	vadd.f32 v45, v2;
	v0 =	vadd.f32 v46, v0  }
0xfb: {  	v52 =	vld [tilespmem:s16+$0x1380]  }
0xfc: {  	v2 =	vadd.f32 v47, v2;
	v0 =	vadd.f32 v48, v0  }
0xfd: {  	v53 =	vld [tilespmem:s16+$0x1400]  }
0xfe: {  	v2 =	vadd.f32 v49, v2;
	v0 =	vadd.f32 v50, v0  }
0xff: {  	v54 =	vld [tilespmem:s16+$0x1480]  }
0x100: {  	v2 =	vadd.f32 v51, v2;
	v0 =	vadd.f32 v52, v0  }
0x101: {  	v55 =	vld [tilespmem:s16+$0x1500]  }
0x102: {  	[tilespmem:s14+$0x1A00] =	vst v2;
	v0 =	vadd.f32 v53, v0  }
0x103: {  	v2 =	vld [tilespmem:s16+$0x1580]  }
0x104: {  	v0 =	vadd.f32 v54, v0  }
0x105: {  	v56 =	vld [tilespmem:s16+$0x1600]  }
0x106: {  	v0 =	vadd.f32 v55, v0  }
0x107: {  	v57 =	vld [tilespmem:s16+$0x1680]  }
0x108: {  	v0 =	vadd.f32 v2, v0  }
0x109: {  	v58 =	vld [tilespmem:s16+$0x1700]  }
0x10a: {  	v0 =	vadd.f32 v56, v0  }
0x10b: {  	v59 =	vld [tilespmem:s16+$0x1780]  }
0x10c: {  	v0 =	vadd.f32 v57, v0  }
0x10d: {  	v60 =	vld [tilespmem:s16+$0x1800]  }
0x10e: {  	v0 =	vadd.f32 v58, v0  }
0x10f: {  	v61 =	vld [tilespmem:s16+$0x1880]  }
0x110: {  	v0 =	vadd.f32 v59, v0  }
0x111: {  	v62 =	vld [tilespmem:s16+$0x1900]  }
0x112: {  	v0 =	vadd.f32 v60, v0  }
0x113: {  	v63 =	vld [tilespmem:s16+$0x1980]  }
0x114: {  	v0 =	vadd.f32 v61, v0;
	_ =	sdelay $0x1  }
0x115: {  	v0 =	vadd.f32 v62, v0;
	_ =	sdelay $0x1  }
0x116: {  	s13 =	sadd.s32 $0x1, s13;
	v0 =	vadd.f32 v63, v0  }
0x117: {  	p0 =	sne.s32 s13, s6  }
.Ltmp1:
0x118: {  	[tilespmem:s16+$0x1A00] =	vst v0;
	(pc) =	sbr.rel @p0 .LBB2_1-.Ltmp1, $4  }
0x119: {  	[hbm4b:s5+s2] =	stream.linear.scatter [tilespmem:s12], [sflag:$0x2], $0x80, $0x38;
	[tilespmem:$0x1A80] =	vst v63  }
0x11a: {  	_ =	swait.ge [sflag:s7], $0x80  }
0x11b: {  	[sflag:s7] =	ssyncset.done $0x0  }
0x11c: {  	[sflag:s7] =	ssyncadd.s32 $0xFFFFFF80  }
0x11d: {  	_ =	sfence.sel $0x180000  }
0x11e: {  	[bflag:$0x0] =	sbarrier.arrive $0xFFFF  }
0x11f: {  	_ =	strace $0x9000004A  }
0x120: {  	s0 =	stileid.u32;
	[bflag:$0x2] =	sbarrier.arrive $0xFFFF  }
0x121: {  	p0 =	sne.s32 s0, $0x0;
	s0 =	rddreg [dreg:$0x2]  }
0x122: {  	s0 =	sadd.s32 @!p0 $0x100000, s0  }
0x123: {  	[sflag:s0] =	ssyncadd.tile.s32 @!p0 $0x1;
	_ =	shalt  }
.Lfunc_end2:
_tile_overlayer_lowered:
.L_overlay_start_2:
0x124: {  	(tag) =	ssettag $0x2  }
0x125: {  	s0 =	rddreg [dreg:$0x0];
	s2 =	stileid.u32  }
0x126: {  	s1 =	rddreg [dreg:$0x1];
	p0 =	sne.s32 s2, $0x0  }
0x127: {  	s3 =	rddreg [dreg:$0x2];
	[bflag:$0x3] =	sbarrier.arrive $0xFFFF;
	s2 =	simm.s32 @!p0 $0x1C02  }
0x128: {  	[timem:s3], [sflag:s2] =	dma.local @!p0 [hbm:s0], s1  }
0x129: {  	s0 =	simm.s32 @!p0 $0x2  }
0x12a: {  	_ =	swait.ge @!p0 [sflag:s0], s1  }
0x12b: {  	s1 =	ssub.s32 @!p0 $0x0, s1;
	[sflag:s0] =	ssyncset.done @!p0 $0x0  }
0x12c: {  	[sflag:s0] =	ssyncadd.s32 @!p0 s1  }
0x12d: {  	[bflag:$0x3] =	sbarrier.arrive $0xFFFF  }
0x12e: {  	_ =	shalt  }

</sc_bundles>
